<compile_context>
chip_gen: v7x
topology: tpu7x:2x2x1
jax: 0.10.2.dev20260603
libtpu: 0.0.44.dev20260713+nightly
codegen_flags: <defaults>
</compile_context>

<pallas_src>
import jax
import jax.numpy as jnp
from jax.experimental import pallas as pl
from jax.experimental.pallas import tpu as pltpu

_B, _S, _D, _C = 128, 32, 64, 100000
_BS = _B * _S
_BC = 512
_NC = (_C + _BC - 1) // _BC
_NEG_INF = float("-inf")


def _block_mask(tgt, ci):
    cols = ci * _BC + jax.lax.broadcasted_iota(jnp.int32, (1, _BC), 1)
    hit = jnp.full((_B, _BC), _S, dtype=jnp.int32)
    for j in range(_S):
        tj = tgt[:, j : j + 1]
        hit = jnp.minimum(hit, jnp.where(tj == cols, j, _S))
    s_iota = jax.lax.broadcasted_iota(jnp.int32, (_B, _S, _BC), 1)
    mask = (s_iota >= hit[:, None, :]).reshape(_BS, _BC)
    colmask = (cols < 2) | (cols >= _C)
    return mask | colmask


def _logits_block(x_ref, w_ref, b_ref):
    x = x_ref[...]
    w = w_ref[...]
    acc = jax.lax.dot_general(
        x, w, (((1,), (1,)), ((), ())), preferred_element_type=jnp.float32
    )
    return acc + b_ref[...]


def _stats_kernel(x_ref, w_ref, b_ref, tgt_ref, denom_ref, m_scr, l_scr):
    ci = pl.program_id(0)

    @pl.when(ci == 0)
    def _init():
        m_scr[...] = jnp.full((_BS, 1), _NEG_INF, dtype=jnp.float32)
        l_scr[...] = jnp.zeros((_BS, 1), dtype=jnp.float32)

    logits = _logits_block(x_ref, w_ref, b_ref)
    mask = _block_mask(tgt_ref[...], ci)
    logits = jnp.where(mask, _NEG_INF, logits)

    m_old = m_scr[...]
    l_old = l_scr[...]
    bmax = jnp.max(logits, axis=1, keepdims=True)
    m_new = jnp.maximum(m_old, bmax)
    bsum = jnp.sum(jnp.exp(logits - m_new), axis=1, keepdims=True)
    l_new = l_old * jnp.exp(m_old - m_new) + bsum
    m_scr[...] = m_new
    l_scr[...] = l_new

    @pl.when(ci == _NC - 1)
    def _fin():
        denom_ref[...] = m_new + jnp.log(l_new)


def _out_kernel(x_ref, w_ref, b_ref, tgt_ref, denom_ref, out_ref):
    ci = pl.program_id(0)
    logits = _logits_block(x_ref, w_ref, b_ref)
    mask = _block_mask(tgt_ref[...], ci)
    out_ref[...] = jnp.where(mask, _NEG_INF, logits - denom_ref[...])


def kernel(decoder_output, tgt_in_idx, W, b):
    x = decoder_output.reshape(_BS, _D).astype(jnp.bfloat16)
    W = W.astype(jnp.bfloat16)
    tgt = tgt_in_idx.astype(jnp.int32)
    b2 = b.reshape(1, _C)

    denom = pl.pallas_call(
        _stats_kernel,
        grid=(_NC,),
        in_specs=[
            pl.BlockSpec((_BS, _D), lambda ci: (0, 0)),
            pl.BlockSpec((_BC, _D), lambda ci: (ci, 0)),
            pl.BlockSpec((1, _BC), lambda ci: (0, ci)),
            pl.BlockSpec((_B, _S), lambda ci: (0, 0)),
        ],
        out_specs=pl.BlockSpec((_BS, 1), lambda ci: (0, 0)),
        out_shape=jax.ShapeDtypeStruct((_BS, 1), jnp.float32),
        scratch_shapes=[
            pltpu.VMEM((_BS, 1), jnp.float32),
            pltpu.VMEM((_BS, 1), jnp.float32),
        ],
    )(x, W, b2, tgt)

    out = pl.pallas_call(
        _out_kernel,
        grid=(_NC,),
        in_specs=[
            pl.BlockSpec((_BS, _D), lambda ci: (0, 0)),
            pl.BlockSpec((_BC, _D), lambda ci: (ci, 0)),
            pl.BlockSpec((1, _BC), lambda ci: (0, ci)),
            pl.BlockSpec((_B, _S), lambda ci: (0, 0)),
            pl.BlockSpec((_BS, 1), lambda ci: (0, 0)),
        ],
        out_specs=pl.BlockSpec((_BS, _BC), lambda ci: (0, ci)),
        out_shape=jax.ShapeDtypeStruct((_BS, _C), jnp.float32),
    )(x, W, b2, tgt, denom)

    return out.reshape(_B, _S, _C)

# --- scband reference (transcript-rebuilt; emitter-appended) ---
"""Pipeline reference for scband-generator-34668976013896 (READ-ONLY COPY).

The authoritative reference and input builder live on the scoring server;
editing this copy changes nothing except your own understanding.
"""

import jax, jax.numpy as jnp
import numpy as np

DIM_MODEL = 64
CANDIDATE_SIZE = 100000
BATCH = 128
SEQ_LEN = 32


def setup_inputs(seed: int = 0) -> dict:
    key = jax.random.key(seed)
    k1, k2, k3, k4 = jax.random.split(key, 4)
    decoder_output = jax.random.normal(k1, (BATCH, SEQ_LEN, DIM_MODEL), dtype=jnp.float32)
    tgt_in_idx = jax.random.randint(k2, (BATCH, SEQ_LEN), 0, CANDIDATE_SIZE, dtype=jnp.int64 if jax.config.jax_enable_x64 else jnp.int32)
    # Learned params of nn.Linear(dim_model, candidate_size)
    bound = 1.0 / np.sqrt(DIM_MODEL)
    W = jax.random.uniform(k3, (CANDIDATE_SIZE, DIM_MODEL), minval=-bound, maxval=bound, dtype=jnp.float32)
    b = jax.random.uniform(k4, (CANDIDATE_SIZE,), minval=-bound, maxval=bound, dtype=jnp.float32)
    return {"decoder_output": decoder_output, "tgt_in_idx": tgt_in_idx, "W": W, "b": b}


def reference(decoder_output, tgt_in_idx, W, b):
    # Mode: PER_SEQ_LOG_PROB_MODE
    # logits = proj(x): [B, S, C]
    logits = jnp.einsum('bsd,cd->bsc', decoder_output, W) + b
    neg_inf = jnp.float32(-jnp.inf)
    # logits[:, :, :2] = -inf
    logits = logits.at[:, :, :2].set(neg_inf)
    batch_size, seq_len = tgt_in_idx.shape
    # mask_indices = tril(tgt_in_idx.repeat(1, seq_len).reshape(B, S, S))
    rep = jnp.tile(tgt_in_idx, (1, seq_len)).reshape(batch_size, seq_len, seq_len)
    mask_indices = jnp.tril(rep, k=0)
    # logits.scatter_(2, mask_indices, -inf)
    b_idx = jnp.arange(batch_size)[:, None, None]
    s_idx = jnp.arange(seq_len)[None, :, None]
    logits = logits.at[b_idx, s_idx, mask_indices].set(neg_inf)
    log_probs = jax.nn.log_softmax(logits, axis=2)
    return log_probs

if __name__ == "__main__":
    import jax
    _d = setup_inputs()
    print(jax.jit(kernel)(*tuple(_d.values())))

</pallas_src>

<mosaic_0001>
module attributes {stable_mosaic.version = 14 : i64} {
  func.func @_stats_kernel(%arg0: i32, %arg1: memref<4096x64xbf16, #tpu.memory_space<vmem>>, %arg2: memref<512x64xbf16, #tpu.memory_space<vmem>>, %arg3: memref<1x512xf32, #tpu.memory_space<vmem>>, %arg4: memref<128x32xi32, #tpu.memory_space<vmem>>, %arg5: memref<4096x1xf32, #tpu.memory_space<vmem>>, %arg6: memref<4096x1xf32, #tpu.memory_space<vmem>>, %arg7: memref<4096x1xf32, #tpu.memory_space<vmem>>) attributes {dimension_semantics = [#tpu.dimension_semantics<arbitrary>], iteration_bounds = array<i64: 196>, scalar_prefetch = 0 : i64, scratch_operands = 2 : i64, tpu.core_type = #tpu.core_type<tc>, window_params = [{pipeline_mode = #tpu.pipeline_mode<synchronous>, transform_indices = @transform_0, window_bounds = array<i64: 4096, 64>}, {transform_indices = @transform_1, window_bounds = array<i64: 512, 64>}, {transform_indices = @transform_2, window_bounds = array<i64: 1, 512>}, {pipeline_mode = #tpu.pipeline_mode<synchronous>, transform_indices = @transform_3, window_bounds = array<i64: 128, 32>}, {pipeline_mode = #tpu.pipeline_mode<synchronous>, transform_indices = @transform_4, window_bounds = array<i64: 4096, 1>}]} {
    %eq3A = arith.constant 0 : i32
    %eq3A_0 = arith.cmpi eq, %arg0, %eq3A : i32
    %convert_element_type3A = arith.extui %eq3A_0 : i1 to i32
    %cond3A = arith.constant 0 : i32
    %cond3A_1 = arith.cmpi ne, %convert_element_type3A, %cond3A : i32
    scf.if %cond3A_1 {
      %broadcast_in_dim3A_373 = arith.constant 0xFF800000 : f32
      %broadcast_in_dim3A_374 = vector.broadcast %broadcast_in_dim3A_373 : f32 to vector<4096x1xf32>
      %swap3A_375 = arith.constant 0 : index
      %swap3A_376 = arith.constant 0 : index
      %swap3A_377 = vector.load %arg6[%swap3A_375, %swap3A_376] : memref<4096x1xf32, #tpu.memory_space<vmem>>, vector<4096x1xf32>
      tpu.vector_store %arg6[%swap3A_375, %swap3A_376], %broadcast_in_dim3A_374 {strides = array<i32>} : memref<4096x1xf32, #tpu.memory_space<vmem>>, vector<4096x1xf32>,
      %broadcast_in_dim3A_378 = arith.constant 0.000000e+00 : f32
      %broadcast_in_dim3A_379 = vector.broadcast %broadcast_in_dim3A_378 : f32 to vector<4096x1xf32>
      %swap3A_380 = arith.constant 0 : index
      %swap3A_381 = arith.constant 0 : index
      %swap3A_382 = vector.load %arg7[%swap3A_380, %swap3A_381] : memref<4096x1xf32, #tpu.memory_space<vmem>>, vector<4096x1xf32>
      tpu.vector_store %arg7[%swap3A_380, %swap3A_381], %broadcast_in_dim3A_379 {strides = array<i32>} : memref<4096x1xf32, #tpu.memory_space<vmem>>, vector<4096x1xf32>,
    } else {
    }
    %get3A = arith.constant 0 : index
    %get3A_2 = arith.constant 0 : index
    %get3A_3 = vector.load %arg1[%get3A, %get3A_2] : memref<4096x64xbf16, #tpu.memory_space<vmem>>, vector<4096x64xbf16>
    %get3A_4 = arith.constant 0 : index
    %get3A_5 = arith.constant 0 : index
    %get3A_6 = vector.load %arg2[%get3A_4, %get3A_5] : memref<512x64xbf16, #tpu.memory_space<vmem>>, vector<512x64xbf16>
    %dot_general3A = arith.constant dense<0.000000e+00> : vector<4096x512xf32>
    %dot_general3A_7 = tpu.matmul %get3A_3, %get3A_6, %dot_general3A {dimension_numbers = #tpu.dot_dimension_numbers<[1], [1], [0], [0], [0, 0, 1, 0], [], []>, transpose_lhs_hint = false} : vector<4096x64xbf16>, vector<512x64xbf16>, vector<4096x512xf32> -> vector<4096x512xf32>
    %get3A_8 = arith.constant 0 : index
    %get3A_9 = arith.constant 0 : index
    %get3A_10 = vector.load %arg3[%get3A_8, %get3A_9] : memref<1x512xf32, #tpu.memory_space<vmem>>, vector<1x512xf32>
    %add3A = vector.broadcast %get3A_10 : vector<1x512xf32> to vector<4096x512xf32>
    %add3A_11 = arith.addf %dot_general3A_7, %add3A : vector<4096x512xf32>
    %get3A_12 = arith.constant 0 : index
    %get3A_13 = arith.constant 0 : index
    %get3A_14 = vector.load %arg4[%get3A_12, %get3A_13] : memref<128x32xi32, #tpu.memory_space<vmem>>, vector<128x32xi32>
    %mul3A = arith.constant 512 : i32
    %mul3A_15 = arith.muli %arg0, %mul3A : i32
    %iota3A = tpu.iota {dimensions = array<i32: 1>} : vector<1x512xi32>
    %add3A_16 = vector.broadcast %mul3A_15 : i32 to vector<1x512xi32>
    %add3A_17 = arith.addi %add3A_16, %iota3A : vector<1x512xi32>
    %broadcast_in_dim3A = arith.constant 32 : i32
    %broadcast_in_dim3A_18 = vector.broadcast %broadcast_in_dim3A : i32 to vector<128x512xi32>
    %slice3A = vector.extract_strided_slice %get3A_14 {offsets = [0, 0], sizes = [128, 1], strides = [1, 1]} : vector<128x32xi32> to vector<128x1xi32>
    %eq3A_19 = vector.broadcast %slice3A : vector<128x1xi32> to vector<128x512xi32>
    %eq3A_20 = vector.broadcast %add3A_17 : vector<1x512xi32> to vector<128x512xi32>
    %eq3A_21 = arith.cmpi eq, %eq3A_19, %eq3A_20 : vector<128x512xi32>
    %jit3A = arith.constant 0 : i32
    %jit3A_22 = arith.constant 32 : i32
    %broadcast_in_dim3A_23 = vector.broadcast %jit3A : i32 to vector<128x512xi32>
    %broadcast_in_dim3A_24 = vector.broadcast %jit3A_22 : i32 to vector<128x512xi32>
    %select_n3A = arith.select %eq3A_21, %broadcast_in_dim3A_23, %broadcast_in_dim3A_24 : vector<128x512xi1>, vector<128x512xi32>
    %min3A = arith.minsi %broadcast_in_dim3A_18, %select_n3A : vector<128x512xi32>
    %slice3A_25 = vector.extract_strided_slice %get3A_14 {offsets = [0, 1], sizes = [128, 1], strides = [1, 1]} : vector<128x32xi32> to vector<128x1xi32>
    %eq3A_26 = vector.broadcast %slice3A_25 : vector<128x1xi32> to vector<128x512xi32>
    %eq3A_27 = vector.broadcast %add3A_17 : vector<1x512xi32> to vector<128x512xi32>
    %eq3A_28 = arith.cmpi eq, %eq3A_26, %eq3A_27 : vector<128x512xi32>
    %jit3A_29 = arith.constant 1 : i32
    %jit3A_30 = arith.constant 32 : i32
    %broadcast_in_dim3A_31 = vector.broadcast %jit3A_29 : i32 to vector<128x512xi32>
    %broadcast_in_dim3A_32 = vector.broadcast %jit3A_30 : i32 to vector<128x512xi32>
    %select_n3A_33 = arith.select %eq3A_28, %broadcast_in_dim3A_31, %broadcast_in_dim3A_32 : vector<128x512xi1>, vector<128x512xi32>
    %min3A_34 = arith.minsi %min3A, %select_n3A_33 : vector<128x512xi32>
    %slice3A_35 = vector.extract_strided_slice %get3A_14 {offsets = [0, 2], sizes = [128, 1], strides = [1, 1]} : vector<128x32xi32> to vector<128x1xi32>
    %eq3A_36 = vector.broadcast %slice3A_35 : vector<128x1xi32> to vector<128x512xi32>
    %eq3A_37 = vector.broadcast %add3A_17 : vector<1x512xi32> to vector<128x512xi32>
    %eq3A_38 = arith.cmpi eq, %eq3A_36, %eq3A_37 : vector<128x512xi32>
    %jit3A_39 = arith.constant 2 : i32
    %jit3A_40 = arith.constant 32 : i32
    %broadcast_in_dim3A_41 = vector.broadcast %jit3A_39 : i32 to vector<128x512xi32>
    %broadcast_in_dim3A_42 = vector.broadcast %jit3A_40 : i32 to vector<128x512xi32>
    %select_n3A_43 = arith.select %eq3A_38, %broadcast_in_dim3A_41, %broadcast_in_dim3A_42 : vector<128x512xi1>, vector<128x512xi32>
    %min3A_44 = arith.minsi %min3A_34, %select_n3A_43 : vector<128x512xi32>
    %slice3A_45 = vector.extract_strided_slice %get3A_14 {offsets = [0, 3], sizes = [128, 1], strides = [1, 1]} : vector<128x32xi32> to vector<128x1xi32>
    %eq3A_46 = vector.broadcast %slice3A_45 : vector<128x1xi32> to vector<128x512xi32>
    %eq3A_47 = vector.broadcast %add3A_17 : vector<1x512xi32> to vector<128x512xi32>
    %eq3A_48 = arith.cmpi eq, %eq3A_46, %eq3A_47 : vector<128x512xi32>
    %jit3A_49 = arith.constant 3 : i32
    %jit3A_50 = arith.constant 32 : i32
    %broadcast_in_dim3A_51 = vector.broadcast %jit3A_49 : i32 to vector<128x512xi32>
    %broadcast_in_dim3A_52 = vector.broadcast %jit3A_50 : i32 to vector<128x512xi32>
    %select_n3A_53 = arith.select %eq3A_48, %broadcast_in_dim3A_51, %broadcast_in_dim3A_52 : vector<128x512xi1>, vector<128x512xi32>
    %min3A_54 = arith.minsi %min3A_44, %select_n3A_53 : vector<128x512xi32>
    %slice3A_55 = vector.extract_strided_slice %get3A_14 {offsets = [0, 4], sizes = [128, 1], strides = [1, 1]} : vector<128x32xi32> to vector<128x1xi32>
    %eq3A_56 = vector.broadcast %slice3A_55 : vector<128x1xi32> to vector<128x512xi32>
    %eq3A_57 = vector.broadcast %add3A_17 : vector<1x512xi32> to vector<128x512xi32>
    %eq3A_58 = arith.cmpi eq, %eq3A_56, %eq3A_57 : vector<128x512xi32>
    %jit3A_59 = arith.constant 4 : i32
    %jit3A_60 = arith.constant 32 : i32
    %broadcast_in_dim3A_61 = vector.broadcast %jit3A_59 : i32 to vector<128x512xi32>
    %broadcast_in_dim3A_62 = vector.broadcast %jit3A_60 : i32 to vector<128x512xi32>
    %select_n3A_63 = arith.select %eq3A_58, %broadcast_in_dim3A_61, %broadcast_in_dim3A_62 : vector<128x512xi1>, vector<128x512xi32>
    %min3A_64 = arith.minsi %min3A_54, %select_n3A_63 : vector<128x512xi32>
    %slice3A_65 = vector.extract_strided_slice %get3A_14 {offsets = [0, 5], sizes = [128, 1], strides = [1, 1]} : vector<128x32xi32> to vector<128x1xi32>
    %eq3A_66 = vector.broadcast %slice3A_65 : vector<128x1xi32> to vector<128x512xi32>
    %eq3A_67 = vector.broadcast %add3A_17 : vector<1x512xi32> to vector<128x512xi32>
    %eq3A_68 = arith.cmpi eq, %eq3A_66, %eq3A_67 : vector<128x512xi32>
    %jit3A_69 = arith.constant 5 : i32
    %jit3A_70 = arith.constant 32 : i32
    %broadcast_in_dim3A_71 = vector.broadcast %jit3A_69 : i32 to vector<128x512xi32>
    %broadcast_in_dim3A_72 = vector.broadcast %jit3A_70 : i32 to vector<128x512xi32>
    %select_n3A_73 = arith.select %eq3A_68, %broadcast_in_dim3A_71, %broadcast_in_dim3A_72 : vector<128x512xi1>, vector<128x512xi32>
    %min3A_74 = arith.minsi %min3A_64, %select_n3A_73 : vector<128x512xi32>
    %slice3A_75 = vector.extract_strided_slice %get3A_14 {offsets = [0, 6], sizes = [128, 1], strides = [1, 1]} : vector<128x32xi32> to vector<128x1xi32>
    %eq3A_76 = vector.broadcast %slice3A_75 : vector<128x1xi32> to vector<128x512xi32>
    %eq3A_77 = vector.broadcast %add3A_17 : vector<1x512xi32> to vector<128x512xi32>
    %eq3A_78 = arith.cmpi eq, %eq3A_76, %eq3A_77 : vector<128x512xi32>
    %jit3A_79 = arith.constant 6 : i32
    %jit3A_80 = arith.constant 32 : i32
    %broadcast_in_dim3A_81 = vector.broadcast %jit3A_79 : i32 to vector<128x512xi32>
    %broadcast_in_dim3A_82 = vector.broadcast %jit3A_80 : i32 to vector<128x512xi32>
    %select_n3A_83 = arith.select %eq3A_78, %broadcast_in_dim3A_81, %broadcast_in_dim3A_82 : vector<128x512xi1>, vector<128x512xi32>
    %min3A_84 = arith.minsi %min3A_74, %select_n3A_83 : vector<128x512xi32>
    %slice3A_85 = vector.extract_strided_slice %get3A_14 {offsets = [0, 7], sizes = [128, 1], strides = [1, 1]} : vector<128x32xi32> to vector<128x1xi32>
    %eq3A_86 = vector.broadcast %slice3A_85 : vector<128x1xi32> to vector<128x512xi32>
    %eq3A_87 = vector.broadcast %add3A_17 : vector<1x512xi32> to vector<128x512xi32>
    %eq3A_88 = arith.cmpi eq, %eq3A_86, %eq3A_87 : vector<128x512xi32>
    %jit3A_89 = arith.constant 7 : i32
    %jit3A_90 = arith.constant 32 : i32
    %broadcast_in_dim3A_91 = vector.broadcast %jit3A_89 : i32 to vector<128x512xi32>
    %broadcast_in_dim3A_92 = vector.broadcast %jit3A_90 : i32 to vector<128x512xi32>
    %select_n3A_93 = arith.select %eq3A_88, %broadcast_in_dim3A_91, %broadcast_in_dim3A_92 : vector<128x512xi1>, vector<128x512xi32>
    %min3A_94 = arith.minsi %min3A_84, %select_n3A_93 : vector<128x512xi32>
    %slice3A_95 = vector.extract_strided_slice %get3A_14 {offsets = [0, 8], sizes = [128, 1], strides = [1, 1]} : vector<128x32xi32> to vector<128x1xi32>
    %eq3A_96 = vector.broadcast %slice3A_95 : vector<128x1xi32> to vector<128x512xi32>
    %eq3A_97 = vector.broadcast %add3A_17 : vector<1x512xi32> to vector<128x512xi32>
    %eq3A_98 = arith.cmpi eq, %eq3A_96, %eq3A_97 : vector<128x512xi32>
    %jit3A_99 = arith.constant 8 : i32
    %jit3A_100 = arith.constant 32 : i32
    %broadcast_in_dim3A_101 = vector.broadcast %jit3A_99 : i32 to vector<128x512xi32>
    %broadcast_in_dim3A_102 = vector.broadcast %jit3A_100 : i32 to vector<128x512xi32>
    %select_n3A_103 = arith.select %eq3A_98, %broadcast_in_dim3A_101, %broadcast_in_dim3A_102 : vector<128x512xi1>, vector<128x512xi32>
    %min3A_104 = arith.minsi %min3A_94, %select_n3A_103 : vector<128x512xi32>
    %slice3A_105 = vector.extract_strided_slice %get3A_14 {offsets = [0, 9], sizes = [128, 1], strides = [1, 1]} : vector<128x32xi32> to vector<128x1xi32>
    %eq3A_106 = vector.broadcast %slice3A_105 : vector<128x1xi32> to vector<128x512xi32>
    %eq3A_107 = vector.broadcast %add3A_17 : vector<1x512xi32> to vector<128x512xi32>
    %eq3A_108 = arith.cmpi eq, %eq3A_106, %eq3A_107 : vector<128x512xi32>
    %jit3A_109 = arith.constant 9 : i32
    %jit3A_110 = arith.constant 32 : i32
    %broadcast_in_dim3A_111 = vector.broadcast %jit3A_109 : i32 to vector<128x512xi32>
    %broadcast_in_dim3A_112 = vector.broadcast %jit3A_110 : i32 to vector<128x512xi32>
    %select_n3A_113 = arith.select %eq3A_108, %broadcast_in_dim3A_111, %broadcast_in_dim3A_112 : vector<128x512xi1>, vector<128x512xi32>
    %min3A_114 = arith.minsi %min3A_104, %select_n3A_113 : vector<128x512xi32>
    %slice3A_115 = vector.extract_strided_slice %get3A_14 {offsets = [0, 10], sizes = [128, 1], strides = [1, 1]} : vector<128x32xi32> to vector<128x1xi32>
    %eq3A_116 = vector.broadcast %slice3A_115 : vector<128x1xi32> to vector<128x512xi32>
    %eq3A_117 = vector.broadcast %add3A_17 : vector<1x512xi32> to vector<128x512xi32>
    %eq3A_118 = arith.cmpi eq, %eq3A_116, %eq3A_117 : vector<128x512xi32>
    %jit3A_119 = arith.constant 10 : i32
    %jit3A_120 = arith.constant 32 : i32
    %broadcast_in_dim3A_121 = vector.broadcast %jit3A_119 : i32 to vector<128x512xi32>
    %broadcast_in_dim3A_122 = vector.broadcast %jit3A_120 : i32 to vector<128x512xi32>
    %select_n3A_123 = arith.select %eq3A_118, %broadcast_in_dim3A_121, %broadcast_in_dim3A_122 : vector<128x512xi1>, vector<128x512xi32>
    %min3A_124 = arith.minsi %min3A_114, %select_n3A_123 : vector<128x512xi32>
    %slice3A_125 = vector.extract_strided_slice %get3A_14 {offsets = [0, 11], sizes = [128, 1], strides = [1, 1]} : vector<128x32xi32> to vector<128x1xi32>
    %eq3A_126 = vector.broadcast %slice3A_125 : vector<128x1xi32> to vector<128x512xi32>
    %eq3A_127 = vector.broadcast %add3A_17 : vector<1x512xi32> to vector<128x512xi32>
    %eq3A_128 = arith.cmpi eq, %eq3A_126, %eq3A_127 : vector<128x512xi32>
    %jit3A_129 = arith.constant 11 : i32
    %jit3A_130 = arith.constant 32 : i32
    %broadcast_in_dim3A_131 = vector.broadcast %jit3A_129 : i32 to vector<128x512xi32>
    %broadcast_in_dim3A_132 = vector.broadcast %jit3A_130 : i32 to vector<128x512xi32>
    %select_n3A_133 = arith.select %eq3A_128, %broadcast_in_dim3A_131, %broadcast_in_dim3A_132 : vector<128x512xi1>, vector<128x512xi32>
    %min3A_134 = arith.minsi %min3A_124, %select_n3A_133 : vector<128x512xi32>
    %slice3A_135 = vector.extract_strided_slice %get3A_14 {offsets = [0, 12], sizes = [128, 1], strides = [1, 1]} : vector<128x32xi32> to vector<128x1xi32>
    %eq3A_136 = vector.broadcast %slice3A_135 : vector<128x1xi32> to vector<128x512xi32>
    %eq3A_137 = vector.broadcast %add3A_17 : vector<1x512xi32> to vector<128x512xi32>
    %eq3A_138 = arith.cmpi eq, %eq3A_136, %eq3A_137 : vector<128x512xi32>
    %jit3A_139 = arith.constant 12 : i32
    %jit3A_140 = arith.constant 32 : i32
    %broadcast_in_dim3A_141 = vector.broadcast %jit3A_139 : i32 to vector<128x512xi32>
    %broadcast_in_dim3A_142 = vector.broadcast %jit3A_140 : i32 to vector<128x512xi32>
    %select_n3A_143 = arith.select %eq3A_138, %broadcast_in_dim3A_141, %broadcast_in_dim3A_142 : vector<128x512xi1>, vector<128x512xi32>
    %min3A_144 = arith.minsi %min3A_134, %select_n3A_143 : vector<128x512xi32>
    %slice3A_145 = vector.extract_strided_slice %get3A_14 {offsets = [0, 13], sizes = [128, 1], strides = [1, 1]} : vector<128x32xi32> to vector<128x1xi32>
    %eq3A_146 = vector.broadcast %slice3A_145 : vector<128x1xi32> to vector<128x512xi32>
    %eq3A_147 = vector.broadcast %add3A_17 : vector<1x512xi32> to vector<128x512xi32>
    %eq3A_148 = arith.cmpi eq, %eq3A_146, %eq3A_147 : vector<128x512xi32>
    %jit3A_149 = arith.constant 13 : i32
    %jit3A_150 = arith.constant 32 : i32
    %broadcast_in_dim3A_151 = vector.broadcast %jit3A_149 : i32 to vector<128x512xi32>
    %broadcast_in_dim3A_152 = vector.broadcast %jit3A_150 : i32 to vector<128x512xi32>
    %select_n3A_153 = arith.select %eq3A_148, %broadcast_in_dim3A_151, %broadcast_in_dim3A_152 : vector<128x512xi1>, vector<128x512xi32>
    %min3A_154 = arith.minsi %min3A_144, %select_n3A_153 : vector<128x512xi32>
    %slice3A_155 = vector.extract_strided_slice %get3A_14 {offsets = [0, 14], sizes = [128, 1], strides = [1, 1]} : vector<128x32xi32> to vector<128x1xi32>
    %eq3A_156 = vector.broadcast %slice3A_155 : vector<128x1xi32> to vector<128x512xi32>
    %eq3A_157 = vector.broadcast %add3A_17 : vector<1x512xi32> to vector<128x512xi32>
    %eq3A_158 = arith.cmpi eq, %eq3A_156, %eq3A_157 : vector<128x512xi32>
    %jit3A_159 = arith.constant 14 : i32
    %jit3A_160 = arith.constant 32 : i32
    %broadcast_in_dim3A_161 = vector.broadcast %jit3A_159 : i32 to vector<128x512xi32>
    %broadcast_in_dim3A_162 = vector.broadcast %jit3A_160 : i32 to vector<128x512xi32>
    %select_n3A_163 = arith.select %eq3A_158, %broadcast_in_dim3A_161, %broadcast_in_dim3A_162 : vector<128x512xi1>, vector<128x512xi32>
    %min3A_164 = arith.minsi %min3A_154, %select_n3A_163 : vector<128x512xi32>
    %slice3A_165 = vector.extract_strided_slice %get3A_14 {offsets = [0, 15], sizes = [128, 1], strides = [1, 1]} : vector<128x32xi32> to vector<128x1xi32>
    %eq3A_166 = vector.broadcast %slice3A_165 : vector<128x1xi32> to vector<128x512xi32>
    %eq3A_167 = vector.broadcast %add3A_17 : vector<1x512xi32> to vector<128x512xi32>
    %eq3A_168 = arith.cmpi eq, %eq3A_166, %eq3A_167 : vector<128x512xi32>
    %jit3A_169 = arith.constant 15 : i32
    %jit3A_170 = arith.constant 32 : i32
    %broadcast_in_dim3A_171 = vector.broadcast %jit3A_169 : i32 to vector<128x512xi32>
    %broadcast_in_dim3A_172 = vector.broadcast %jit3A_170 : i32 to vector<128x512xi32>
    %select_n3A_173 = arith.select %eq3A_168, %broadcast_in_dim3A_171, %broadcast_in_dim3A_172 : vector<128x512xi1>, vector<128x512xi32>
    %min3A_174 = arith.minsi %min3A_164, %select_n3A_173 : vector<128x512xi32>
    %slice3A_175 = vector.extract_strided_slice %get3A_14 {offsets = [0, 16], sizes = [128, 1], strides = [1, 1]} : vector<128x32xi32> to vector<128x1xi32>
    %eq3A_176 = vector.broadcast %slice3A_175 : vector<128x1xi32> to vector<128x512xi32>
    %eq3A_177 = vector.broadcast %add3A_17 : vector<1x512xi32> to vector<128x512xi32>
    %eq3A_178 = arith.cmpi eq, %eq3A_176, %eq3A_177 : vector<128x512xi32>
    %jit3A_179 = arith.constant 16 : i32
    %jit3A_180 = arith.constant 32 : i32
    %broadcast_in_dim3A_181 = vector.broadcast %jit3A_179 : i32 to vector<128x512xi32>
    %broadcast_in_dim3A_182 = vector.broadcast %jit3A_180 : i32 to vector<128x512xi32>
    %select_n3A_183 = arith.select %eq3A_178, %broadcast_in_dim3A_181, %broadcast_in_dim3A_182 : vector<128x512xi1>, vector<128x512xi32>
    %min3A_184 = arith.minsi %min3A_174, %select_n3A_183 : vector<128x512xi32>
    %slice3A_185 = vector.extract_strided_slice %get3A_14 {offsets = [0, 17], sizes = [128, 1], strides = [1, 1]} : vector<128x32xi32> to vector<128x1xi32>
    %eq3A_186 = vector.broadcast %slice3A_185 : vector<128x1xi32> to vector<128x512xi32>
    %eq3A_187 = vector.broadcast %add3A_17 : vector<1x512xi32> to vector<128x512xi32>
    %eq3A_188 = arith.cmpi eq, %eq3A_186, %eq3A_187 : vector<128x512xi32>
    %jit3A_189 = arith.constant 17 : i32
    %jit3A_190 = arith.constant 32 : i32
    %broadcast_in_dim3A_191 = vector.broadcast %jit3A_189 : i32 to vector<128x512xi32>
    %broadcast_in_dim3A_192 = vector.broadcast %jit3A_190 : i32 to vector<128x512xi32>
    %select_n3A_193 = arith.select %eq3A_188, %broadcast_in_dim3A_191, %broadcast_in_dim3A_192 : vector<128x512xi1>, vector<128x512xi32>
    %min3A_194 = arith.minsi %min3A_184, %select_n3A_193 : vector<128x512xi32>
    %slice3A_195 = vector.extract_strided_slice %get3A_14 {offsets = [0, 18], sizes = [128, 1], strides = [1, 1]} : vector<128x32xi32> to vector<128x1xi32>
    %eq3A_196 = vector.broadcast %slice3A_195 : vector<128x1xi32> to vector<128x512xi32>
    %eq3A_197 = vector.broadcast %add3A_17 : vector<1x512xi32> to vector<128x512xi32>
    %eq3A_198 = arith.cmpi eq, %eq3A_196, %eq3A_197 : vector<128x512xi32>
    %jit3A_199 = arith.constant 18 : i32
    %jit3A_200 = arith.constant 32 : i32
    %broadcast_in_dim3A_201 = vector.broadcast %jit3A_199 : i32 to vector<128x512xi32>
    %broadcast_in_dim3A_202 = vector.broadcast %jit3A_200 : i32 to vector<128x512xi32>
    %select_n3A_203 = arith.select %eq3A_198, %broadcast_in_dim3A_201, %broadcast_in_dim3A_202 : vector<128x512xi1>, vector<128x512xi32>
    %min3A_204 = arith.minsi %min3A_194, %select_n3A_203 : vector<128x512xi32>
    %slice3A_205 = vector.extract_strided_slice %get3A_14 {offsets = [0, 19], sizes = [128, 1], strides = [1, 1]} : vector<128x32xi32> to vector<128x1xi32>
    %eq3A_206 = vector.broadcast %slice3A_205 : vector<128x1xi32> to vector<128x512xi32>
    %eq3A_207 = vector.broadcast %add3A_17 : vector<1x512xi32> to vector<128x512xi32>
    %eq3A_208 = arith.cmpi eq, %eq3A_206, %eq3A_207 : vector<128x512xi32>
    %jit3A_209 = arith.constant 19 : i32
    %jit3A_210 = arith.constant 32 : i32
    %broadcast_in_dim3A_211 = vector.broadcast %jit3A_209 : i32 to vector<128x512xi32>
    %broadcast_in_dim3A_212 = vector.broadcast %jit3A_210 : i32 to vector<128x512xi32>
    %select_n3A_213 = arith.select %eq3A_208, %broadcast_in_dim3A_211, %broadcast_in_dim3A_212 : vector<128x512xi1>, vector<128x512xi32>
    %min3A_214 = arith.minsi %min3A_204, %select_n3A_213 : vector<128x512xi32>
    %slice3A_215 = vector.extract_strided_slice %get3A_14 {offsets = [0, 20], sizes = [128, 1], strides = [1, 1]} : vector<128x32xi32> to vector<128x1xi32>
    %eq3A_216 = vector.broadcast %slice3A_215 : vector<128x1xi32> to vector<128x512xi32>
    %eq3A_217 = vector.broadcast %add3A_17 : vector<1x512xi32> to vector<128x512xi32>
    %eq3A_218 = arith.cmpi eq, %eq3A_216, %eq3A_217 : vector<128x512xi32>
    %jit3A_219 = arith.constant 20 : i32
    %jit3A_220 = arith.constant 32 : i32
    %broadcast_in_dim3A_221 = vector.broadcast %jit3A_219 : i32 to vector<128x512xi32>
    %broadcast_in_dim3A_222 = vector.broadcast %jit3A_220 : i32 to vector<128x512xi32>
    %select_n3A_223 = arith.select %eq3A_218, %broadcast_in_dim3A_221, %broadcast_in_dim3A_222 : vector<128x512xi1>, vector<128x512xi32>
    %min3A_224 = arith.minsi %min3A_214, %select_n3A_223 : vector<128x512xi32>
    %slice3A_225 = vector.extract_strided_slice %get3A_14 {offsets = [0, 21], sizes = [128, 1], strides = [1, 1]} : vector<128x32xi32> to vector<128x1xi32>
    %eq3A_226 = vector.broadcast %slice3A_225 : vector<128x1xi32> to vector<128x512xi32>
    %eq3A_227 = vector.broadcast %add3A_17 : vector<1x512xi32> to vector<128x512xi32>
    %eq3A_228 = arith.cmpi eq, %eq3A_226, %eq3A_227 : vector<128x512xi32>
    %jit3A_229 = arith.constant 21 : i32
    %jit3A_230 = arith.constant 32 : i32
    %broadcast_in_dim3A_231 = vector.broadcast %jit3A_229 : i32 to vector<128x512xi32>
    %broadcast_in_dim3A_232 = vector.broadcast %jit3A_230 : i32 to vector<128x512xi32>
    %select_n3A_233 = arith.select %eq3A_228, %broadcast_in_dim3A_231, %broadcast_in_dim3A_232 : vector<128x512xi1>, vector<128x512xi32>
    %min3A_234 = arith.minsi %min3A_224, %select_n3A_233 : vector<128x512xi32>
    %slice3A_235 = vector.extract_strided_slice %get3A_14 {offsets = [0, 22], sizes = [128, 1], strides = [1, 1]} : vector<128x32xi32> to vector<128x1xi32>
    %eq3A_236 = vector.broadcast %slice3A_235 : vector<128x1xi32> to vector<128x512xi32>
    %eq3A_237 = vector.broadcast %add3A_17 : vector<1x512xi32> to vector<128x512xi32>
    %eq3A_238 = arith.cmpi eq, %eq3A_236, %eq3A_237 : vector<128x512xi32>
    %jit3A_239 = arith.constant 22 : i32
    %jit3A_240 = arith.constant 32 : i32
    %broadcast_in_dim3A_241 = vector.broadcast %jit3A_239 : i32 to vector<128x512xi32>
    %broadcast_in_dim3A_242 = vector.broadcast %jit3A_240 : i32 to vector<128x512xi32>
    %select_n3A_243 = arith.select %eq3A_238, %broadcast_in_dim3A_241, %broadcast_in_dim3A_242 : vector<128x512xi1>, vector<128x512xi32>
    %min3A_244 = arith.minsi %min3A_234, %select_n3A_243 : vector<128x512xi32>
    %slice3A_245 = vector.extract_strided_slice %get3A_14 {offsets = [0, 23], sizes = [128, 1], strides = [1, 1]} : vector<128x32xi32> to vector<128x1xi32>
    %eq3A_246 = vector.broadcast %slice3A_245 : vector<128x1xi32> to vector<128x512xi32>
    %eq3A_247 = vector.broadcast %add3A_17 : vector<1x512xi32> to vector<128x512xi32>
    %eq3A_248 = arith.cmpi eq, %eq3A_246, %eq3A_247 : vector<128x512xi32>
    %jit3A_249 = arith.constant 23 : i32
    %jit3A_250 = arith.constant 32 : i32
    %broadcast_in_dim3A_251 = vector.broadcast %jit3A_249 : i32 to vector<128x512xi32>
    %broadcast_in_dim3A_252 = vector.broadcast %jit3A_250 : i32 to vector<128x512xi32>
    %select_n3A_253 = arith.select %eq3A_248, %broadcast_in_dim3A_251, %broadcast_in_dim3A_252 : vector<128x512xi1>, vector<128x512xi32>
    %min3A_254 = arith.minsi %min3A_244, %select_n3A_253 : vector<128x512xi32>
    %slice3A_255 = vector.extract_strided_slice %get3A_14 {offsets = [0, 24], sizes = [128, 1], strides = [1, 1]} : vector<128x32xi32> to vector<128x1xi32>
    %eq3A_256 = vector.broadcast %slice3A_255 : vector<128x1xi32> to vector<128x512xi32>
    %eq3A_257 = vector.broadcast %add3A_17 : vector<1x512xi32> to vector<128x512xi32>
    %eq3A_258 = arith.cmpi eq, %eq3A_256, %eq3A_257 : vector<128x512xi32>
    %jit3A_259 = arith.constant 24 : i32
    %jit3A_260 = arith.constant 32 : i32
    %broadcast_in_dim3A_261 = vector.broadcast %jit3A_259 : i32 to vector<128x512xi32>
    %broadcast_in_dim3A_262 = vector.broadcast %jit3A_260 : i32 to vector<128x512xi32>
    %select_n3A_263 = arith.select %eq3A_258, %broadcast_in_dim3A_261, %broadcast_in_dim3A_262 : vector<128x512xi1>, vector<128x512xi32>
    %min3A_264 = arith.minsi %min3A_254, %select_n3A_263 : vector<128x512xi32>
    %slice3A_265 = vector.extract_strided_slice %get3A_14 {offsets = [0, 25], sizes = [128, 1], strides = [1, 1]} : vector<128x32xi32> to vector<128x1xi32>
    %eq3A_266 = vector.broadcast %slice3A_265 : vector<128x1xi32> to vector<128x512xi32>
    %eq3A_267 = vector.broadcast %add3A_17 : vector<1x512xi32> to vector<128x512xi32>
    %eq3A_268 = arith.cmpi eq, %eq3A_266, %eq3A_267 : vector<128x512xi32>
    %jit3A_269 = arith.constant 25 : i32
    %jit3A_270 = arith.constant 32 : i32
    %broadcast_in_dim3A_271 = vector.broadcast %jit3A_269 : i32 to vector<128x512xi32>
    %broadcast_in_dim3A_272 = vector.broadcast %jit3A_270 : i32 to vector<128x512xi32>
    %select_n3A_273 = arith.select %eq3A_268, %broadcast_in_dim3A_271, %broadcast_in_dim3A_272 : vector<128x512xi1>, vector<128x512xi32>
    %min3A_274 = arith.minsi %min3A_264, %select_n3A_273 : vector<128x512xi32>
    %slice3A_275 = vector.extract_strided_slice %get3A_14 {offsets = [0, 26], sizes = [128, 1], strides = [1, 1]} : vector<128x32xi32> to vector<128x1xi32>
    %eq3A_276 = vector.broadcast %slice3A_275 : vector<128x1xi32> to vector<128x512xi32>
    %eq3A_277 = vector.broadcast %add3A_17 : vector<1x512xi32> to vector<128x512xi32>
    %eq3A_278 = arith.cmpi eq, %eq3A_276, %eq3A_277 : vector<128x512xi32>
    %jit3A_279 = arith.constant 26 : i32
    %jit3A_280 = arith.constant 32 : i32
    %broadcast_in_dim3A_281 = vector.broadcast %jit3A_279 : i32 to vector<128x512xi32>
    %broadcast_in_dim3A_282 = vector.broadcast %jit3A_280 : i32 to vector<128x512xi32>
    %select_n3A_283 = arith.select %eq3A_278, %broadcast_in_dim3A_281, %broadcast_in_dim3A_282 : vector<128x512xi1>, vector<128x512xi32>
    %min3A_284 = arith.minsi %min3A_274, %select_n3A_283 : vector<128x512xi32>
    %slice3A_285 = vector.extract_strided_slice %get3A_14 {offsets = [0, 27], sizes = [128, 1], strides = [1, 1]} : vector<128x32xi32> to vector<128x1xi32>
    %eq3A_286 = vector.broadcast %slice3A_285 : vector<128x1xi32> to vector<128x512xi32>
    %eq3A_287 = vector.broadcast %add3A_17 : vector<1x512xi32> to vector<128x512xi32>
    %eq3A_288 = arith.cmpi eq, %eq3A_286, %eq3A_287 : vector<128x512xi32>
    %jit3A_289 = arith.constant 27 : i32
    %jit3A_290 = arith.constant 32 : i32
    %broadcast_in_dim3A_291 = vector.broadcast %jit3A_289 : i32 to vector<128x512xi32>
    %broadcast_in_dim3A_292 = vector.broadcast %jit3A_290 : i32 to vector<128x512xi32>
    %select_n3A_293 = arith.select %eq3A_288, %broadcast_in_dim3A_291, %broadcast_in_dim3A_292 : vector<128x512xi1>, vector<128x512xi32>
    %min3A_294 = arith.minsi %min3A_284, %select_n3A_293 : vector<128x512xi32>
    %slice3A_295 = vector.extract_strided_slice %get3A_14 {offsets = [0, 28], sizes = [128, 1], strides = [1, 1]} : vector<128x32xi32> to vector<128x1xi32>
    %eq3A_296 = vector.broadcast %slice3A_295 : vector<128x1xi32> to vector<128x512xi32>
    %eq3A_297 = vector.broadcast %add3A_17 : vector<1x512xi32> to vector<128x512xi32>
    %eq3A_298 = arith.cmpi eq, %eq3A_296, %eq3A_297 : vector<128x512xi32>
    %jit3A_299 = arith.constant 28 : i32
    %jit3A_300 = arith.constant 32 : i32
    %broadcast_in_dim3A_301 = vector.broadcast %jit3A_299 : i32 to vector<128x512xi32>
    %broadcast_in_dim3A_302 = vector.broadcast %jit3A_300 : i32 to vector<128x512xi32>
    %select_n3A_303 = arith.select %eq3A_298, %broadcast_in_dim3A_301, %broadcast_in_dim3A_302 : vector<128x512xi1>, vector<128x512xi32>
    %min3A_304 = arith.minsi %min3A_294, %select_n3A_303 : vector<128x512xi32>
    %slice3A_305 = vector.extract_strided_slice %get3A_14 {offsets = [0, 29], sizes = [128, 1], strides = [1, 1]} : vector<128x32xi32> to vector<128x1xi32>
    %eq3A_306 = vector.broadcast %slice3A_305 : vector<128x1xi32> to vector<128x512xi32>
    %eq3A_307 = vector.broadcast %add3A_17 : vector<1x512xi32> to vector<128x512xi32>
    %eq3A_308 = arith.cmpi eq, %eq3A_306, %eq3A_307 : vector<128x512xi32>
    %jit3A_309 = arith.constant 29 : i32
    %jit3A_310 = arith.constant 32 : i32
    %broadcast_in_dim3A_311 = vector.broadcast %jit3A_309 : i32 to vector<128x512xi32>
    %broadcast_in_dim3A_312 = vector.broadcast %jit3A_310 : i32 to vector<128x512xi32>
    %select_n3A_313 = arith.select %eq3A_308, %broadcast_in_dim3A_311, %broadcast_in_dim3A_312 : vector<128x512xi1>, vector<128x512xi32>
    %min3A_314 = arith.minsi %min3A_304, %select_n3A_313 : vector<128x512xi32>
    %slice3A_315 = vector.extract_strided_slice %get3A_14 {offsets = [0, 30], sizes = [128, 1], strides = [1, 1]} : vector<128x32xi32> to vector<128x1xi32>
    %eq3A_316 = vector.broadcast %slice3A_315 : vector<128x1xi32> to vector<128x512xi32>
    %eq3A_317 = vector.broadcast %add3A_17 : vector<1x512xi32> to vector<128x512xi32>
    %eq3A_318 = arith.cmpi eq, %eq3A_316, %eq3A_317 : vector<128x512xi32>
    %jit3A_319 = arith.constant 30 : i32
    %jit3A_320 = arith.constant 32 : i32
    %broadcast_in_dim3A_321 = vector.broadcast %jit3A_319 : i32 to vector<128x512xi32>
    %broadcast_in_dim3A_322 = vector.broadcast %jit3A_320 : i32 to vector<128x512xi32>
    %select_n3A_323 = arith.select %eq3A_318, %broadcast_in_dim3A_321, %broadcast_in_dim3A_322 : vector<128x512xi1>, vector<128x512xi32>
    %min3A_324 = arith.minsi %min3A_314, %select_n3A_323 : vector<128x512xi32>
    %slice3A_325 = vector.extract_strided_slice %get3A_14 {offsets = [0, 31], sizes = [128, 1], strides = [1, 1]} : vector<128x32xi32> to vector<128x1xi32>
    %eq3A_326 = vector.broadcast %slice3A_325 : vector<128x1xi32> to vector<128x512xi32>
    %eq3A_327 = vector.broadcast %add3A_17 : vector<1x512xi32> to vector<128x512xi32>
    %eq3A_328 = arith.cmpi eq, %eq3A_326, %eq3A_327 : vector<128x512xi32>
    %jit3A_329 = arith.constant 31 : i32
    %jit3A_330 = arith.constant 32 : i32
    %broadcast_in_dim3A_331 = vector.broadcast %jit3A_329 : i32 to vector<128x512xi32>
    %broadcast_in_dim3A_332 = vector.broadcast %jit3A_330 : i32 to vector<128x512xi32>
    %select_n3A_333 = arith.select %eq3A_328, %broadcast_in_dim3A_331, %broadcast_in_dim3A_332 : vector<128x512xi1>, vector<128x512xi32>
    %min3A_334 = arith.minsi %min3A_324, %select_n3A_333 : vector<128x512xi32>
    %iota3A_335 = tpu.iota {dimensions = array<i32: 1>} : vector<128x32x512xi32>
    %broadcast_in_dim3A_336 = vector.shape_cast %min3A_334 : vector<128x512xi32> to vector<128x1x512xi32>
    %ge3A = vector.broadcast %broadcast_in_dim3A_336 : vector<128x1x512xi32> to vector<128x32x512xi32>
    %ge3A_337 = arith.cmpi sge, %iota3A_335, %ge3A : vector<128x32x512xi32>
    %reshape3A = vector.shape_cast %ge3A_337 : vector<128x32x512xi1> to vector<4096x512xi1>
    %lt3A = arith.constant 2 : i32
    %lt3A_338 = vector.broadcast %lt3A : i32 to vector<1x512xi32>
    %lt3A_339 = arith.cmpi slt, %add3A_17, %lt3A_338 : vector<1x512xi32>
    %ge3A_340 = arith.constant 100000 : i32
    %ge3A_341 = vector.broadcast %ge3A_340 : i32 to vector<1x512xi32>
    %ge3A_342 = arith.cmpi sge, %add3A_17, %ge3A_341 : vector<1x512xi32>
    %or3A = arith.ori %lt3A_339, %ge3A_342 : vector<1x512xi1>
    %or3A_343 = vector.broadcast %or3A : vector<1x512xi1> to vector<4096x512xi1>
    %or3A_344 = arith.ori %reshape3A, %or3A_343 : vector<4096x512xi1>
    %jit3A_345 = arith.constant 0xFF800000 : f32
    %broadcast_in_dim3A_346 = vector.broadcast %jit3A_345 : f32 to vector<4096x512xf32>
    %select_n3A_347 = arith.select %or3A_344, %broadcast_in_dim3A_346, %add3A_11 : vector<4096x512xi1>, vector<4096x512xf32>
    %get3A_348 = arith.constant 0 : index
    %get3A_349 = arith.constant 0 : index
    %get3A_350 = vector.load %arg6[%get3A_348, %get3A_349] : memref<4096x1xf32, #tpu.memory_space<vmem>>, vector<4096x1xf32>
    %get3A_351 = arith.constant 0 : index
    %get3A_352 = arith.constant 0 : index
    %get3A_353 = vector.load %arg7[%get3A_351, %get3A_352] : memref<4096x1xf32, #tpu.memory_space<vmem>>, vector<4096x1xf32>
    %reduce_max3A = arith.constant dense<0xFF800000> : vector<4096xf32>
    %reduce_max3A_354 = vector.multi_reduction <maximumf>, %select_n3A_347, %reduce_max3A [1] : vector<4096x512xf32> to vector<4096xf32>
    %broadcast_in_dim3A_355 = vector.shape_cast %reduce_max3A_354 : vector<4096xf32> to vector<4096x1xf32>
    %max3A = arith.maximumf %get3A_350, %broadcast_in_dim3A_355 : vector<4096x1xf32>
    %sub3A = vector.broadcast %max3A : vector<4096x1xf32> to vector<4096x512xf32>
    %sub3A_356 = arith.subf %select_n3A_347, %sub3A : vector<4096x512xf32>
    %exp3A = math.exp %sub3A_356 : vector<4096x512xf32>
    %reduce_sum3A = arith.constant dense<0.000000e+00> : vector<4096xf32>
    %reduce_sum3A_357 = vector.multi_reduction <add>, %exp3A, %reduce_sum3A [1] : vector<4096x512xf32> to vector<4096xf32>
    %broadcast_in_dim3A_358 = vector.shape_cast %reduce_sum3A_357 : vector<4096xf32> to vector<4096x1xf32>
    %sub3A_359 = arith.subf %get3A_350, %max3A : vector<4096x1xf32>
    %exp3A_360 = math.exp %sub3A_359 : vector<4096x1xf32>
    %mul3A_361 = arith.mulf %get3A_353, %exp3A_360 : vector<4096x1xf32>
    %add3A_362 = arith.addf %mul3A_361, %broadcast_in_dim3A_358 : vector<4096x1xf32>
    %swap3A = arith.constant 0 : index
    %swap3A_363 = arith.constant 0 : index
    %swap3A_364 = vector.load %arg6[%swap3A, %swap3A_363] : memref<4096x1xf32, #tpu.memory_space<vmem>>, vector<4096x1xf32>
    tpu.vector_store %arg6[%swap3A, %swap3A_363], %max3A {strides = array<i32>} : memref<4096x1xf32, #tpu.memory_space<vmem>>, vector<4096x1xf32>,
    %swap3A_365 = arith.constant 0 : index
    %swap3A_366 = arith.constant 0 : index
    %swap3A_367 = vector.load %arg7[%swap3A_365, %swap3A_366] : memref<4096x1xf32, #tpu.memory_space<vmem>>, vector<4096x1xf32>
    tpu.vector_store %arg7[%swap3A_365, %swap3A_366], %add3A_362 {strides = array<i32>} : memref<4096x1xf32, #tpu.memory_space<vmem>>, vector<4096x1xf32>,
    %eq3A_368 = arith.constant 195 : i32
    %eq3A_369 = arith.cmpi eq, %arg0, %eq3A_368 : i32
    %convert_element_type3A_370 = arith.extui %eq3A_369 : i1 to i32
    %cond3A_371 = arith.constant 0 : i32
    %cond3A_372 = arith.cmpi ne, %convert_element_type3A_370, %cond3A_371 : i32
    scf.if %cond3A_372 {
      %log3A = math.log %add3A_362 : vector<4096x1xf32>
      %add3A_373 = arith.addf %max3A, %log3A : vector<4096x1xf32>
      %swap3A_374 = arith.constant 0 : index
      %swap3A_375 = arith.constant 0 : index
      %swap3A_376 = vector.load %arg5[%swap3A_374, %swap3A_375] : memref<4096x1xf32, #tpu.memory_space<vmem>>, vector<4096x1xf32>
      tpu.vector_store %arg5[%swap3A_374, %swap3A_375], %add3A_373 {strides = array<i32>} : memref<4096x1xf32, #tpu.memory_space<vmem>>, vector<4096x1xf32>,
    } else {
    }
    return
  }
  func.func @transform_0(%arg0: i32) -> (i32, i32) {
    %c0_i32 = arith.constant 0 : i32
    %c0_i32_0 = arith.constant 0 : i32
    %c0_i32_1 = arith.constant 0 : i32
    return %c0_i32, %c0_i32_0 : i32, i32
  }
  func.func @transform_1(%arg0: i32) -> (i32, i32) {
    %c0_i32 = arith.constant 0 : i32
    %c0_i32_0 = arith.constant 0 : i32
    return %arg0, %c0_i32 : i32, i32
  }
  func.func @transform_2(%arg0: i32) -> (i32, i32) {
    %c0_i32 = arith.constant 0 : i32
    %c0_i32_0 = arith.constant 0 : i32
    return %c0_i32, %arg0 : i32, i32
  }
  func.func @transform_3(%arg0: i32) -> (i32, i32) {
    %c0_i32 = arith.constant 0 : i32
    %c0_i32_0 = arith.constant 0 : i32
    %c0_i32_1 = arith.constant 0 : i32
    return %c0_i32, %c0_i32_0 : i32, i32
  }
  func.func @transform_4(%arg0: i32) -> (i32, i32) {
    %c0_i32 = arith.constant 0 : i32
    %c0_i32_0 = arith.constant 0 : i32
    %c0_i32_1 = arith.constant 0 : i32
    return %c0_i32, %c0_i32_0 : i32, i32
  }
}

module attributes {stable_mosaic.version = 14 : i64} {
  func.func @_out_kernel(%arg0: i32, %arg1: memref<4096x64xbf16, #tpu.memory_space<vmem>>, %arg2: memref<512x64xbf16, #tpu.memory_space<vmem>>, %arg3: memref<1x512xf32, #tpu.memory_space<vmem>>, %arg4: memref<128x32xi32, #tpu.memory_space<vmem>>, %arg5: memref<4096x1xf32, #tpu.memory_space<vmem>>, %arg6: memref<4096x512xf32, #tpu.memory_space<vmem>>) attributes {dimension_semantics = [#tpu.dimension_semantics<arbitrary>], iteration_bounds = array<i64: 196>, scalar_prefetch = 0 : i64, scratch_operands = 0 : i64, tpu.core_type = #tpu.core_type<tc>, window_params = [{pipeline_mode = #tpu.pipeline_mode<synchronous>, transform_indices = @transform_0, window_bounds = array<i64: 4096, 64>}, {transform_indices = @transform_1, window_bounds = array<i64: 512, 64>}, {transform_indices = @transform_2, window_bounds = array<i64: 1, 512>}, {pipeline_mode = #tpu.pipeline_mode<synchronous>, transform_indices = @transform_3, window_bounds = array<i64: 128, 32>}, {pipeline_mode = #tpu.pipeline_mode<synchronous>, transform_indices = @transform_4, window_bounds = array<i64: 4096, 1>}, {transform_indices = @transform_5, window_bounds = array<i64: 4096, 512>}]} {
    %get3A = arith.constant 0 : index
    %get3A_0 = arith.constant 0 : index
    %get3A_1 = vector.load %arg1[%get3A, %get3A_0] : memref<4096x64xbf16, #tpu.memory_space<vmem>>, vector<4096x64xbf16>
    %get3A_2 = arith.constant 0 : index
    %get3A_3 = arith.constant 0 : index
    %get3A_4 = vector.load %arg2[%get3A_2, %get3A_3] : memref<512x64xbf16, #tpu.memory_space<vmem>>, vector<512x64xbf16>
    %dot_general3A = arith.constant dense<0.000000e+00> : vector<4096x512xf32>
    %dot_general3A_5 = tpu.matmul %get3A_1, %get3A_4, %dot_general3A {dimension_numbers = #tpu.dot_dimension_numbers<[1], [1], [0], [0], [0, 0, 1, 0], [], []>, transpose_lhs_hint = false} : vector<4096x64xbf16>, vector<512x64xbf16>, vector<4096x512xf32> -> vector<4096x512xf32>
    %get3A_6 = arith.constant 0 : index
    %get3A_7 = arith.constant 0 : index
    %get3A_8 = vector.load %arg3[%get3A_6, %get3A_7] : memref<1x512xf32, #tpu.memory_space<vmem>>, vector<1x512xf32>
    %add3A = vector.broadcast %get3A_8 : vector<1x512xf32> to vector<4096x512xf32>
    %add3A_9 = arith.addf %dot_general3A_5, %add3A : vector<4096x512xf32>
    %get3A_10 = arith.constant 0 : index
    %get3A_11 = arith.constant 0 : index
    %get3A_12 = vector.load %arg4[%get3A_10, %get3A_11] : memref<128x32xi32, #tpu.memory_space<vmem>>, vector<128x32xi32>
    %mul3A = arith.constant 512 : i32
    %mul3A_13 = arith.muli %arg0, %mul3A : i32
    %iota3A = tpu.iota {dimensions = array<i32: 1>} : vector<1x512xi32>
    %add3A_14 = vector.broadcast %mul3A_13 : i32 to vector<1x512xi32>
    %add3A_15 = arith.addi %add3A_14, %iota3A : vector<1x512xi32>
    %broadcast_in_dim3A = arith.constant 32 : i32
    %broadcast_in_dim3A_16 = vector.broadcast %broadcast_in_dim3A : i32 to vector<128x512xi32>
    %slice3A = vector.extract_strided_slice %get3A_12 {offsets = [0, 0], sizes = [128, 1], strides = [1, 1]} : vector<128x32xi32> to vector<128x1xi32>
    %eq3A = vector.broadcast %slice3A : vector<128x1xi32> to vector<128x512xi32>
    %eq3A_17 = vector.broadcast %add3A_15 : vector<1x512xi32> to vector<128x512xi32>
    %eq3A_18 = arith.cmpi eq, %eq3A, %eq3A_17 : vector<128x512xi32>
    %jit3A = arith.constant 0 : i32
    %jit3A_19 = arith.constant 32 : i32
    %broadcast_in_dim3A_20 = vector.broadcast %jit3A : i32 to vector<128x512xi32>
    %broadcast_in_dim3A_21 = vector.broadcast %jit3A_19 : i32 to vector<128x512xi32>
    %select_n3A = arith.select %eq3A_18, %broadcast_in_dim3A_20, %broadcast_in_dim3A_21 : vector<128x512xi1>, vector<128x512xi32>
    %min3A = arith.minsi %broadcast_in_dim3A_16, %select_n3A : vector<128x512xi32>
    %slice3A_22 = vector.extract_strided_slice %get3A_12 {offsets = [0, 1], sizes = [128, 1], strides = [1, 1]} : vector<128x32xi32> to vector<128x1xi32>
    %eq3A_23 = vector.broadcast %slice3A_22 : vector<128x1xi32> to vector<128x512xi32>
    %eq3A_24 = vector.broadcast %add3A_15 : vector<1x512xi32> to vector<128x512xi32>
    %eq3A_25 = arith.cmpi eq, %eq3A_23, %eq3A_24 : vector<128x512xi32>
    %jit3A_26 = arith.constant 1 : i32
    %jit3A_27 = arith.constant 32 : i32
    %broadcast_in_dim3A_28 = vector.broadcast %jit3A_26 : i32 to vector<128x512xi32>
    %broadcast_in_dim3A_29 = vector.broadcast %jit3A_27 : i32 to vector<128x512xi32>
    %select_n3A_30 = arith.select %eq3A_25, %broadcast_in_dim3A_28, %broadcast_in_dim3A_29 : vector<128x512xi1>, vector<128x512xi32>
    %min3A_31 = arith.minsi %min3A, %select_n3A_30 : vector<128x512xi32>
    %slice3A_32 = vector.extract_strided_slice %get3A_12 {offsets = [0, 2], sizes = [128, 1], strides = [1, 1]} : vector<128x32xi32> to vector<128x1xi32>
    %eq3A_33 = vector.broadcast %slice3A_32 : vector<128x1xi32> to vector<128x512xi32>
    %eq3A_34 = vector.broadcast %add3A_15 : vector<1x512xi32> to vector<128x512xi32>
    %eq3A_35 = arith.cmpi eq, %eq3A_33, %eq3A_34 : vector<128x512xi32>
    %jit3A_36 = arith.constant 2 : i32
    %jit3A_37 = arith.constant 32 : i32
    %broadcast_in_dim3A_38 = vector.broadcast %jit3A_36 : i32 to vector<128x512xi32>
    %broadcast_in_dim3A_39 = vector.broadcast %jit3A_37 : i32 to vector<128x512xi32>
    %select_n3A_40 = arith.select %eq3A_35, %broadcast_in_dim3A_38, %broadcast_in_dim3A_39 : vector<128x512xi1>, vector<128x512xi32>
    %min3A_41 = arith.minsi %min3A_31, %select_n3A_40 : vector<128x512xi32>
    %slice3A_42 = vector.extract_strided_slice %get3A_12 {offsets = [0, 3], sizes = [128, 1], strides = [1, 1]} : vector<128x32xi32> to vector<128x1xi32>
    %eq3A_43 = vector.broadcast %slice3A_42 : vector<128x1xi32> to vector<128x512xi32>
    %eq3A_44 = vector.broadcast %add3A_15 : vector<1x512xi32> to vector<128x512xi32>
    %eq3A_45 = arith.cmpi eq, %eq3A_43, %eq3A_44 : vector<128x512xi32>
    %jit3A_46 = arith.constant 3 : i32
    %jit3A_47 = arith.constant 32 : i32
    %broadcast_in_dim3A_48 = vector.broadcast %jit3A_46 : i32 to vector<128x512xi32>
    %broadcast_in_dim3A_49 = vector.broadcast %jit3A_47 : i32 to vector<128x512xi32>
    %select_n3A_50 = arith.select %eq3A_45, %broadcast_in_dim3A_48, %broadcast_in_dim3A_49 : vector<128x512xi1>, vector<128x512xi32>
    %min3A_51 = arith.minsi %min3A_41, %select_n3A_50 : vector<128x512xi32>
    %slice3A_52 = vector.extract_strided_slice %get3A_12 {offsets = [0, 4], sizes = [128, 1], strides = [1, 1]} : vector<128x32xi32> to vector<128x1xi32>
    %eq3A_53 = vector.broadcast %slice3A_52 : vector<128x1xi32> to vector<128x512xi32>
    %eq3A_54 = vector.broadcast %add3A_15 : vector<1x512xi32> to vector<128x512xi32>
    %eq3A_55 = arith.cmpi eq, %eq3A_53, %eq3A_54 : vector<128x512xi32>
    %jit3A_56 = arith.constant 4 : i32
    %jit3A_57 = arith.constant 32 : i32
    %broadcast_in_dim3A_58 = vector.broadcast %jit3A_56 : i32 to vector<128x512xi32>
    %broadcast_in_dim3A_59 = vector.broadcast %jit3A_57 : i32 to vector<128x512xi32>
    %select_n3A_60 = arith.select %eq3A_55, %broadcast_in_dim3A_58, %broadcast_in_dim3A_59 : vector<128x512xi1>, vector<128x512xi32>
    %min3A_61 = arith.minsi %min3A_51, %select_n3A_60 : vector<128x512xi32>
    %slice3A_62 = vector.extract_strided_slice %get3A_12 {offsets = [0, 5], sizes = [128, 1], strides = [1, 1]} : vector<128x32xi32> to vector<128x1xi32>
    %eq3A_63 = vector.broadcast %slice3A_62 : vector<128x1xi32> to vector<128x512xi32>
    %eq3A_64 = vector.broadcast %add3A_15 : vector<1x512xi32> to vector<128x512xi32>
    %eq3A_65 = arith.cmpi eq, %eq3A_63, %eq3A_64 : vector<128x512xi32>
    %jit3A_66 = arith.constant 5 : i32
    %jit3A_67 = arith.constant 32 : i32
    %broadcast_in_dim3A_68 = vector.broadcast %jit3A_66 : i32 to vector<128x512xi32>
    %broadcast_in_dim3A_69 = vector.broadcast %jit3A_67 : i32 to vector<128x512xi32>
    %select_n3A_70 = arith.select %eq3A_65, %broadcast_in_dim3A_68, %broadcast_in_dim3A_69 : vector<128x512xi1>, vector<128x512xi32>
    %min3A_71 = arith.minsi %min3A_61, %select_n3A_70 : vector<128x512xi32>
    %slice3A_72 = vector.extract_strided_slice %get3A_12 {offsets = [0, 6], sizes = [128, 1], strides = [1, 1]} : vector<128x32xi32> to vector<128x1xi32>
    %eq3A_73 = vector.broadcast %slice3A_72 : vector<128x1xi32> to vector<128x512xi32>
    %eq3A_74 = vector.broadcast %add3A_15 : vector<1x512xi32> to vector<128x512xi32>
    %eq3A_75 = arith.cmpi eq, %eq3A_73, %eq3A_74 : vector<128x512xi32>
    %jit3A_76 = arith.constant 6 : i32
    %jit3A_77 = arith.constant 32 : i32
    %broadcast_in_dim3A_78 = vector.broadcast %jit3A_76 : i32 to vector<128x512xi32>
    %broadcast_in_dim3A_79 = vector.broadcast %jit3A_77 : i32 to vector<128x512xi32>
    %select_n3A_80 = arith.select %eq3A_75, %broadcast_in_dim3A_78, %broadcast_in_dim3A_79 : vector<128x512xi1>, vector<128x512xi32>
    %min3A_81 = arith.minsi %min3A_71, %select_n3A_80 : vector<128x512xi32>
    %slice3A_82 = vector.extract_strided_slice %get3A_12 {offsets = [0, 7], sizes = [128, 1], strides = [1, 1]} : vector<128x32xi32> to vector<128x1xi32>
    %eq3A_83 = vector.broadcast %slice3A_82 : vector<128x1xi32> to vector<128x512xi32>
    %eq3A_84 = vector.broadcast %add3A_15 : vector<1x512xi32> to vector<128x512xi32>
    %eq3A_85 = arith.cmpi eq, %eq3A_83, %eq3A_84 : vector<128x512xi32>
    %jit3A_86 = arith.constant 7 : i32
    %jit3A_87 = arith.constant 32 : i32
    %broadcast_in_dim3A_88 = vector.broadcast %jit3A_86 : i32 to vector<128x512xi32>
    %broadcast_in_dim3A_89 = vector.broadcast %jit3A_87 : i32 to vector<128x512xi32>
    %select_n3A_90 = arith.select %eq3A_85, %broadcast_in_dim3A_88, %broadcast_in_dim3A_89 : vector<128x512xi1>, vector<128x512xi32>
    %min3A_91 = arith.minsi %min3A_81, %select_n3A_90 : vector<128x512xi32>
    %slice3A_92 = vector.extract_strided_slice %get3A_12 {offsets = [0, 8], sizes = [128, 1], strides = [1, 1]} : vector<128x32xi32> to vector<128x1xi32>
    %eq3A_93 = vector.broadcast %slice3A_92 : vector<128x1xi32> to vector<128x512xi32>
    %eq3A_94 = vector.broadcast %add3A_15 : vector<1x512xi32> to vector<128x512xi32>
    %eq3A_95 = arith.cmpi eq, %eq3A_93, %eq3A_94 : vector<128x512xi32>
    %jit3A_96 = arith.constant 8 : i32
    %jit3A_97 = arith.constant 32 : i32
    %broadcast_in_dim3A_98 = vector.broadcast %jit3A_96 : i32 to vector<128x512xi32>
    %broadcast_in_dim3A_99 = vector.broadcast %jit3A_97 : i32 to vector<128x512xi32>
    %select_n3A_100 = arith.select %eq3A_95, %broadcast_in_dim3A_98, %broadcast_in_dim3A_99 : vector<128x512xi1>, vector<128x512xi32>
    %min3A_101 = arith.minsi %min3A_91, %select_n3A_100 : vector<128x512xi32>
    %slice3A_102 = vector.extract_strided_slice %get3A_12 {offsets = [0, 9], sizes = [128, 1], strides = [1, 1]} : vector<128x32xi32> to vector<128x1xi32>
    %eq3A_103 = vector.broadcast %slice3A_102 : vector<128x1xi32> to vector<128x512xi32>
    %eq3A_104 = vector.broadcast %add3A_15 : vector<1x512xi32> to vector<128x512xi32>
    %eq3A_105 = arith.cmpi eq, %eq3A_103, %eq3A_104 : vector<128x512xi32>
    %jit3A_106 = arith.constant 9 : i32
    %jit3A_107 = arith.constant 32 : i32
    %broadcast_in_dim3A_108 = vector.broadcast %jit3A_106 : i32 to vector<128x512xi32>
    %broadcast_in_dim3A_109 = vector.broadcast %jit3A_107 : i32 to vector<128x512xi32>
    %select_n3A_110 = arith.select %eq3A_105, %broadcast_in_dim3A_108, %broadcast_in_dim3A_109 : vector<128x512xi1>, vector<128x512xi32>
    %min3A_111 = arith.minsi %min3A_101, %select_n3A_110 : vector<128x512xi32>
    %slice3A_112 = vector.extract_strided_slice %get3A_12 {offsets = [0, 10], sizes = [128, 1], strides = [1, 1]} : vector<128x32xi32> to vector<128x1xi32>
    %eq3A_113 = vector.broadcast %slice3A_112 : vector<128x1xi32> to vector<128x512xi32>
    %eq3A_114 = vector.broadcast %add3A_15 : vector<1x512xi32> to vector<128x512xi32>
    %eq3A_115 = arith.cmpi eq, %eq3A_113, %eq3A_114 : vector<128x512xi32>
    %jit3A_116 = arith.constant 10 : i32
    %jit3A_117 = arith.constant 32 : i32
    %broadcast_in_dim3A_118 = vector.broadcast %jit3A_116 : i32 to vector<128x512xi32>
    %broadcast_in_dim3A_119 = vector.broadcast %jit3A_117 : i32 to vector<128x512xi32>
    %select_n3A_120 = arith.select %eq3A_115, %broadcast_in_dim3A_118, %broadcast_in_dim3A_119 : vector<128x512xi1>, vector<128x512xi32>
    %min3A_121 = arith.minsi %min3A_111, %select_n3A_120 : vector<128x512xi32>
    %slice3A_122 = vector.extract_strided_slice %get3A_12 {offsets = [0, 11], sizes = [128, 1], strides = [1, 1]} : vector<128x32xi32> to vector<128x1xi32>
    %eq3A_123 = vector.broadcast %slice3A_122 : vector<128x1xi32> to vector<128x512xi32>
    %eq3A_124 = vector.broadcast %add3A_15 : vector<1x512xi32> to vector<128x512xi32>
    %eq3A_125 = arith.cmpi eq, %eq3A_123, %eq3A_124 : vector<128x512xi32>
    %jit3A_126 = arith.constant 11 : i32
    %jit3A_127 = arith.constant 32 : i32
    %broadcast_in_dim3A_128 = vector.broadcast %jit3A_126 : i32 to vector<128x512xi32>
    %broadcast_in_dim3A_129 = vector.broadcast %jit3A_127 : i32 to vector<128x512xi32>
    %select_n3A_130 = arith.select %eq3A_125, %broadcast_in_dim3A_128, %broadcast_in_dim3A_129 : vector<128x512xi1>, vector<128x512xi32>
    %min3A_131 = arith.minsi %min3A_121, %select_n3A_130 : vector<128x512xi32>
    %slice3A_132 = vector.extract_strided_slice %get3A_12 {offsets = [0, 12], sizes = [128, 1], strides = [1, 1]} : vector<128x32xi32> to vector<128x1xi32>
    %eq3A_133 = vector.broadcast %slice3A_132 : vector<128x1xi32> to vector<128x512xi32>
    %eq3A_134 = vector.broadcast %add3A_15 : vector<1x512xi32> to vector<128x512xi32>
    %eq3A_135 = arith.cmpi eq, %eq3A_133, %eq3A_134 : vector<128x512xi32>
    %jit3A_136 = arith.constant 12 : i32
    %jit3A_137 = arith.constant 32 : i32
    %broadcast_in_dim3A_138 = vector.broadcast %jit3A_136 : i32 to vector<128x512xi32>
    %broadcast_in_dim3A_139 = vector.broadcast %jit3A_137 : i32 to vector<128x512xi32>
    %select_n3A_140 = arith.select %eq3A_135, %broadcast_in_dim3A_138, %broadcast_in_dim3A_139 : vector<128x512xi1>, vector<128x512xi32>
    %min3A_141 = arith.minsi %min3A_131, %select_n3A_140 : vector<128x512xi32>
    %slice3A_142 = vector.extract_strided_slice %get3A_12 {offsets = [0, 13], sizes = [128, 1], strides = [1, 1]} : vector<128x32xi32> to vector<128x1xi32>
    %eq3A_143 = vector.broadcast %slice3A_142 : vector<128x1xi32> to vector<128x512xi32>
    %eq3A_144 = vector.broadcast %add3A_15 : vector<1x512xi32> to vector<128x512xi32>
    %eq3A_145 = arith.cmpi eq, %eq3A_143, %eq3A_144 : vector<128x512xi32>
    %jit3A_146 = arith.constant 13 : i32
    %jit3A_147 = arith.constant 32 : i32
    %broadcast_in_dim3A_148 = vector.broadcast %jit3A_146 : i32 to vector<128x512xi32>
    %broadcast_in_dim3A_149 = vector.broadcast %jit3A_147 : i32 to vector<128x512xi32>
    %select_n3A_150 = arith.select %eq3A_145, %broadcast_in_dim3A_148, %broadcast_in_dim3A_149 : vector<128x512xi1>, vector<128x512xi32>
    %min3A_151 = arith.minsi %min3A_141, %select_n3A_150 : vector<128x512xi32>
    %slice3A_152 = vector.extract_strided_slice %get3A_12 {offsets = [0, 14], sizes = [128, 1], strides = [1, 1]} : vector<128x32xi32> to vector<128x1xi32>
    %eq3A_153 = vector.broadcast %slice3A_152 : vector<128x1xi32> to vector<128x512xi32>
    %eq3A_154 = vector.broadcast %add3A_15 : vector<1x512xi32> to vector<128x512xi32>
    %eq3A_155 = arith.cmpi eq, %eq3A_153, %eq3A_154 : vector<128x512xi32>
    %jit3A_156 = arith.constant 14 : i32
    %jit3A_157 = arith.constant 32 : i32
    %broadcast_in_dim3A_158 = vector.broadcast %jit3A_156 : i32 to vector<128x512xi32>
    %broadcast_in_dim3A_159 = vector.broadcast %jit3A_157 : i32 to vector<128x512xi32>
    %select_n3A_160 = arith.select %eq3A_155, %broadcast_in_dim3A_158, %broadcast_in_dim3A_159 : vector<128x512xi1>, vector<128x512xi32>
    %min3A_161 = arith.minsi %min3A_151, %select_n3A_160 : vector<128x512xi32>
    %slice3A_162 = vector.extract_strided_slice %get3A_12 {offsets = [0, 15], sizes = [128, 1], strides = [1, 1]} : vector<128x32xi32> to vector<128x1xi32>
    %eq3A_163 = vector.broadcast %slice3A_162 : vector<128x1xi32> to vector<128x512xi32>
    %eq3A_164 = vector.broadcast %add3A_15 : vector<1x512xi32> to vector<128x512xi32>
    %eq3A_165 = arith.cmpi eq, %eq3A_163, %eq3A_164 : vector<128x512xi32>
    %jit3A_166 = arith.constant 15 : i32
    %jit3A_167 = arith.constant 32 : i32
    %broadcast_in_dim3A_168 = vector.broadcast %jit3A_166 : i32 to vector<128x512xi32>
    %broadcast_in_dim3A_169 = vector.broadcast %jit3A_167 : i32 to vector<128x512xi32>
    %select_n3A_170 = arith.select %eq3A_165, %broadcast_in_dim3A_168, %broadcast_in_dim3A_169 : vector<128x512xi1>, vector<128x512xi32>
    %min3A_171 = arith.minsi %min3A_161, %select_n3A_170 : vector<128x512xi32>
    %slice3A_172 = vector.extract_strided_slice %get3A_12 {offsets = [0, 16], sizes = [128, 1], strides = [1, 1]} : vector<128x32xi32> to vector<128x1xi32>
    %eq3A_173 = vector.broadcast %slice3A_172 : vector<128x1xi32> to vector<128x512xi32>
    %eq3A_174 = vector.broadcast %add3A_15 : vector<1x512xi32> to vector<128x512xi32>
    %eq3A_175 = arith.cmpi eq, %eq3A_173, %eq3A_174 : vector<128x512xi32>
    %jit3A_176 = arith.constant 16 : i32
    %jit3A_177 = arith.constant 32 : i32
    %broadcast_in_dim3A_178 = vector.broadcast %jit3A_176 : i32 to vector<128x512xi32>
    %broadcast_in_dim3A_179 = vector.broadcast %jit3A_177 : i32 to vector<128x512xi32>
    %select_n3A_180 = arith.select %eq3A_175, %broadcast_in_dim3A_178, %broadcast_in_dim3A_179 : vector<128x512xi1>, vector<128x512xi32>
    %min3A_181 = arith.minsi %min3A_171, %select_n3A_180 : vector<128x512xi32>
    %slice3A_182 = vector.extract_strided_slice %get3A_12 {offsets = [0, 17], sizes = [128, 1], strides = [1, 1]} : vector<128x32xi32> to vector<128x1xi32>
    %eq3A_183 = vector.broadcast %slice3A_182 : vector<128x1xi32> to vector<128x512xi32>
    %eq3A_184 = vector.broadcast %add3A_15 : vector<1x512xi32> to vector<128x512xi32>
    %eq3A_185 = arith.cmpi eq, %eq3A_183, %eq3A_184 : vector<128x512xi32>
    %jit3A_186 = arith.constant 17 : i32
    %jit3A_187 = arith.constant 32 : i32
    %broadcast_in_dim3A_188 = vector.broadcast %jit3A_186 : i32 to vector<128x512xi32>
    %broadcast_in_dim3A_189 = vector.broadcast %jit3A_187 : i32 to vector<128x512xi32>
    %select_n3A_190 = arith.select %eq3A_185, %broadcast_in_dim3A_188, %broadcast_in_dim3A_189 : vector<128x512xi1>, vector<128x512xi32>
    %min3A_191 = arith.minsi %min3A_181, %select_n3A_190 : vector<128x512xi32>
    %slice3A_192 = vector.extract_strided_slice %get3A_12 {offsets = [0, 18], sizes = [128, 1], strides = [1, 1]} : vector<128x32xi32> to vector<128x1xi32>
    %eq3A_193 = vector.broadcast %slice3A_192 : vector<128x1xi32> to vector<128x512xi32>
    %eq3A_194 = vector.broadcast %add3A_15 : vector<1x512xi32> to vector<128x512xi32>
    %eq3A_195 = arith.cmpi eq, %eq3A_193, %eq3A_194 : vector<128x512xi32>
    %jit3A_196 = arith.constant 18 : i32
    %jit3A_197 = arith.constant 32 : i32
    %broadcast_in_dim3A_198 = vector.broadcast %jit3A_196 : i32 to vector<128x512xi32>
    %broadcast_in_dim3A_199 = vector.broadcast %jit3A_197 : i32 to vector<128x512xi32>
    %select_n3A_200 = arith.select %eq3A_195, %broadcast_in_dim3A_198, %broadcast_in_dim3A_199 : vector<128x512xi1>, vector<128x512xi32>
    %min3A_201 = arith.minsi %min3A_191, %select_n3A_200 : vector<128x512xi32>
    %slice3A_202 = vector.extract_strided_slice %get3A_12 {offsets = [0, 19], sizes = [128, 1], strides = [1, 1]} : vector<128x32xi32> to vector<128x1xi32>
    %eq3A_203 = vector.broadcast %slice3A_202 : vector<128x1xi32> to vector<128x512xi32>
    %eq3A_204 = vector.broadcast %add3A_15 : vector<1x512xi32> to vector<128x512xi32>
    %eq3A_205 = arith.cmpi eq, %eq3A_203, %eq3A_204 : vector<128x512xi32>
    %jit3A_206 = arith.constant 19 : i32
    %jit3A_207 = arith.constant 32 : i32
    %broadcast_in_dim3A_208 = vector.broadcast %jit3A_206 : i32 to vector<128x512xi32>
    %broadcast_in_dim3A_209 = vector.broadcast %jit3A_207 : i32 to vector<128x512xi32>
    %select_n3A_210 = arith.select %eq3A_205, %broadcast_in_dim3A_208, %broadcast_in_dim3A_209 : vector<128x512xi1>, vector<128x512xi32>
    %min3A_211 = arith.minsi %min3A_201, %select_n3A_210 : vector<128x512xi32>
    %slice3A_212 = vector.extract_strided_slice %get3A_12 {offsets = [0, 20], sizes = [128, 1], strides = [1, 1]} : vector<128x32xi32> to vector<128x1xi32>
    %eq3A_213 = vector.broadcast %slice3A_212 : vector<128x1xi32> to vector<128x512xi32>
    %eq3A_214 = vector.broadcast %add3A_15 : vector<1x512xi32> to vector<128x512xi32>
    %eq3A_215 = arith.cmpi eq, %eq3A_213, %eq3A_214 : vector<128x512xi32>
    %jit3A_216 = arith.constant 20 : i32
    %jit3A_217 = arith.constant 32 : i32
    %broadcast_in_dim3A_218 = vector.broadcast %jit3A_216 : i32 to vector<128x512xi32>
    %broadcast_in_dim3A_219 = vector.broadcast %jit3A_217 : i32 to vector<128x512xi32>
    %select_n3A_220 = arith.select %eq3A_215, %broadcast_in_dim3A_218, %broadcast_in_dim3A_219 : vector<128x512xi1>, vector<128x512xi32>
    %min3A_221 = arith.minsi %min3A_211, %select_n3A_220 : vector<128x512xi32>
    %slice3A_222 = vector.extract_strided_slice %get3A_12 {offsets = [0, 21], sizes = [128, 1], strides = [1, 1]} : vector<128x32xi32> to vector<128x1xi32>
    %eq3A_223 = vector.broadcast %slice3A_222 : vector<128x1xi32> to vector<128x512xi32>
    %eq3A_224 = vector.broadcast %add3A_15 : vector<1x512xi32> to vector<128x512xi32>
    %eq3A_225 = arith.cmpi eq, %eq3A_223, %eq3A_224 : vector<128x512xi32>
    %jit3A_226 = arith.constant 21 : i32
    %jit3A_227 = arith.constant 32 : i32
    %broadcast_in_dim3A_228 = vector.broadcast %jit3A_226 : i32 to vector<128x512xi32>
    %broadcast_in_dim3A_229 = vector.broadcast %jit3A_227 : i32 to vector<128x512xi32>
    %select_n3A_230 = arith.select %eq3A_225, %broadcast_in_dim3A_228, %broadcast_in_dim3A_229 : vector<128x512xi1>, vector<128x512xi32>
    %min3A_231 = arith.minsi %min3A_221, %select_n3A_230 : vector<128x512xi32>
    %slice3A_232 = vector.extract_strided_slice %get3A_12 {offsets = [0, 22], sizes = [128, 1], strides = [1, 1]} : vector<128x32xi32> to vector<128x1xi32>
    %eq3A_233 = vector.broadcast %slice3A_232 : vector<128x1xi32> to vector<128x512xi32>
    %eq3A_234 = vector.broadcast %add3A_15 : vector<1x512xi32> to vector<128x512xi32>
    %eq3A_235 = arith.cmpi eq, %eq3A_233, %eq3A_234 : vector<128x512xi32>
    %jit3A_236 = arith.constant 22 : i32
    %jit3A_237 = arith.constant 32 : i32
    %broadcast_in_dim3A_238 = vector.broadcast %jit3A_236 : i32 to vector<128x512xi32>
    %broadcast_in_dim3A_239 = vector.broadcast %jit3A_237 : i32 to vector<128x512xi32>
    %select_n3A_240 = arith.select %eq3A_235, %broadcast_in_dim3A_238, %broadcast_in_dim3A_239 : vector<128x512xi1>, vector<128x512xi32>
    %min3A_241 = arith.minsi %min3A_231, %select_n3A_240 : vector<128x512xi32>
    %slice3A_242 = vector.extract_strided_slice %get3A_12 {offsets = [0, 23], sizes = [128, 1], strides = [1, 1]} : vector<128x32xi32> to vector<128x1xi32>
    %eq3A_243 = vector.broadcast %slice3A_242 : vector<128x1xi32> to vector<128x512xi32>
    %eq3A_244 = vector.broadcast %add3A_15 : vector<1x512xi32> to vector<128x512xi32>
    %eq3A_245 = arith.cmpi eq, %eq3A_243, %eq3A_244 : vector<128x512xi32>
    %jit3A_246 = arith.constant 23 : i32
    %jit3A_247 = arith.constant 32 : i32
    %broadcast_in_dim3A_248 = vector.broadcast %jit3A_246 : i32 to vector<128x512xi32>
    %broadcast_in_dim3A_249 = vector.broadcast %jit3A_247 : i32 to vector<128x512xi32>
    %select_n3A_250 = arith.select %eq3A_245, %broadcast_in_dim3A_248, %broadcast_in_dim3A_249 : vector<128x512xi1>, vector<128x512xi32>
    %min3A_251 = arith.minsi %min3A_241, %select_n3A_250 : vector<128x512xi32>
    %slice3A_252 = vector.extract_strided_slice %get3A_12 {offsets = [0, 24], sizes = [128, 1], strides = [1, 1]} : vector<128x32xi32> to vector<128x1xi32>
    %eq3A_253 = vector.broadcast %slice3A_252 : vector<128x1xi32> to vector<128x512xi32>
    %eq3A_254 = vector.broadcast %add3A_15 : vector<1x512xi32> to vector<128x512xi32>
    %eq3A_255 = arith.cmpi eq, %eq3A_253, %eq3A_254 : vector<128x512xi32>
    %jit3A_256 = arith.constant 24 : i32
    %jit3A_257 = arith.constant 32 : i32
    %broadcast_in_dim3A_258 = vector.broadcast %jit3A_256 : i32 to vector<128x512xi32>
    %broadcast_in_dim3A_259 = vector.broadcast %jit3A_257 : i32 to vector<128x512xi32>
    %select_n3A_260 = arith.select %eq3A_255, %broadcast_in_dim3A_258, %broadcast_in_dim3A_259 : vector<128x512xi1>, vector<128x512xi32>
    %min3A_261 = arith.minsi %min3A_251, %select_n3A_260 : vector<128x512xi32>
    %slice3A_262 = vector.extract_strided_slice %get3A_12 {offsets = [0, 25], sizes = [128, 1], strides = [1, 1]} : vector<128x32xi32> to vector<128x1xi32>
    %eq3A_263 = vector.broadcast %slice3A_262 : vector<128x1xi32> to vector<128x512xi32>
    %eq3A_264 = vector.broadcast %add3A_15 : vector<1x512xi32> to vector<128x512xi32>
    %eq3A_265 = arith.cmpi eq, %eq3A_263, %eq3A_264 : vector<128x512xi32>
    %jit3A_266 = arith.constant 25 : i32
    %jit3A_267 = arith.constant 32 : i32
    %broadcast_in_dim3A_268 = vector.broadcast %jit3A_266 : i32 to vector<128x512xi32>
    %broadcast_in_dim3A_269 = vector.broadcast %jit3A_267 : i32 to vector<128x512xi32>
    %select_n3A_270 = arith.select %eq3A_265, %broadcast_in_dim3A_268, %broadcast_in_dim3A_269 : vector<128x512xi1>, vector<128x512xi32>
    %min3A_271 = arith.minsi %min3A_261, %select_n3A_270 : vector<128x512xi32>
    %slice3A_272 = vector.extract_strided_slice %get3A_12 {offsets = [0, 26], sizes = [128, 1], strides = [1, 1]} : vector<128x32xi32> to vector<128x1xi32>
    %eq3A_273 = vector.broadcast %slice3A_272 : vector<128x1xi32> to vector<128x512xi32>
    %eq3A_274 = vector.broadcast %add3A_15 : vector<1x512xi32> to vector<128x512xi32>
    %eq3A_275 = arith.cmpi eq, %eq3A_273, %eq3A_274 : vector<128x512xi32>
    %jit3A_276 = arith.constant 26 : i32
    %jit3A_277 = arith.constant 32 : i32
    %broadcast_in_dim3A_278 = vector.broadcast %jit3A_276 : i32 to vector<128x512xi32>
    %broadcast_in_dim3A_279 = vector.broadcast %jit3A_277 : i32 to vector<128x512xi32>
    %select_n3A_280 = arith.select %eq3A_275, %broadcast_in_dim3A_278, %broadcast_in_dim3A_279 : vector<128x512xi1>, vector<128x512xi32>
    %min3A_281 = arith.minsi %min3A_271, %select_n3A_280 : vector<128x512xi32>
    %slice3A_282 = vector.extract_strided_slice %get3A_12 {offsets = [0, 27], sizes = [128, 1], strides = [1, 1]} : vector<128x32xi32> to vector<128x1xi32>
    %eq3A_283 = vector.broadcast %slice3A_282 : vector<128x1xi32> to vector<128x512xi32>
    %eq3A_284 = vector.broadcast %add3A_15 : vector<1x512xi32> to vector<128x512xi32>
    %eq3A_285 = arith.cmpi eq, %eq3A_283, %eq3A_284 : vector<128x512xi32>
    %jit3A_286 = arith.constant 27 : i32
    %jit3A_287 = arith.constant 32 : i32
    %broadcast_in_dim3A_288 = vector.broadcast %jit3A_286 : i32 to vector<128x512xi32>
    %broadcast_in_dim3A_289 = vector.broadcast %jit3A_287 : i32 to vector<128x512xi32>
    %select_n3A_290 = arith.select %eq3A_285, %broadcast_in_dim3A_288, %broadcast_in_dim3A_289 : vector<128x512xi1>, vector<128x512xi32>
    %min3A_291 = arith.minsi %min3A_281, %select_n3A_290 : vector<128x512xi32>
    %slice3A_292 = vector.extract_strided_slice %get3A_12 {offsets = [0, 28], sizes = [128, 1], strides = [1, 1]} : vector<128x32xi32> to vector<128x1xi32>
    %eq3A_293 = vector.broadcast %slice3A_292 : vector<128x1xi32> to vector<128x512xi32>
    %eq3A_294 = vector.broadcast %add3A_15 : vector<1x512xi32> to vector<128x512xi32>
    %eq3A_295 = arith.cmpi eq, %eq3A_293, %eq3A_294 : vector<128x512xi32>
    %jit3A_296 = arith.constant 28 : i32
    %jit3A_297 = arith.constant 32 : i32
    %broadcast_in_dim3A_298 = vector.broadcast %jit3A_296 : i32 to vector<128x512xi32>
    %broadcast_in_dim3A_299 = vector.broadcast %jit3A_297 : i32 to vector<128x512xi32>
    %select_n3A_300 = arith.select %eq3A_295, %broadcast_in_dim3A_298, %broadcast_in_dim3A_299 : vector<128x512xi1>, vector<128x512xi32>
    %min3A_301 = arith.minsi %min3A_291, %select_n3A_300 : vector<128x512xi32>
    %slice3A_302 = vector.extract_strided_slice %get3A_12 {offsets = [0, 29], sizes = [128, 1], strides = [1, 1]} : vector<128x32xi32> to vector<128x1xi32>
    %eq3A_303 = vector.broadcast %slice3A_302 : vector<128x1xi32> to vector<128x512xi32>
    %eq3A_304 = vector.broadcast %add3A_15 : vector<1x512xi32> to vector<128x512xi32>
    %eq3A_305 = arith.cmpi eq, %eq3A_303, %eq3A_304 : vector<128x512xi32>
    %jit3A_306 = arith.constant 29 : i32
    %jit3A_307 = arith.constant 32 : i32
    %broadcast_in_dim3A_308 = vector.broadcast %jit3A_306 : i32 to vector<128x512xi32>
    %broadcast_in_dim3A_309 = vector.broadcast %jit3A_307 : i32 to vector<128x512xi32>
    %select_n3A_310 = arith.select %eq3A_305, %broadcast_in_dim3A_308, %broadcast_in_dim3A_309 : vector<128x512xi1>, vector<128x512xi32>
    %min3A_311 = arith.minsi %min3A_301, %select_n3A_310 : vector<128x512xi32>
    %slice3A_312 = vector.extract_strided_slice %get3A_12 {offsets = [0, 30], sizes = [128, 1], strides = [1, 1]} : vector<128x32xi32> to vector<128x1xi32>
    %eq3A_313 = vector.broadcast %slice3A_312 : vector<128x1xi32> to vector<128x512xi32>
    %eq3A_314 = vector.broadcast %add3A_15 : vector<1x512xi32> to vector<128x512xi32>
    %eq3A_315 = arith.cmpi eq, %eq3A_313, %eq3A_314 : vector<128x512xi32>
    %jit3A_316 = arith.constant 30 : i32
    %jit3A_317 = arith.constant 32 : i32
    %broadcast_in_dim3A_318 = vector.broadcast %jit3A_316 : i32 to vector<128x512xi32>
    %broadcast_in_dim3A_319 = vector.broadcast %jit3A_317 : i32 to vector<128x512xi32>
    %select_n3A_320 = arith.select %eq3A_315, %broadcast_in_dim3A_318, %broadcast_in_dim3A_319 : vector<128x512xi1>, vector<128x512xi32>
    %min3A_321 = arith.minsi %min3A_311, %select_n3A_320 : vector<128x512xi32>
    %slice3A_322 = vector.extract_strided_slice %get3A_12 {offsets = [0, 31], sizes = [128, 1], strides = [1, 1]} : vector<128x32xi32> to vector<128x1xi32>
    %eq3A_323 = vector.broadcast %slice3A_322 : vector<128x1xi32> to vector<128x512xi32>
    %eq3A_324 = vector.broadcast %add3A_15 : vector<1x512xi32> to vector<128x512xi32>
    %eq3A_325 = arith.cmpi eq, %eq3A_323, %eq3A_324 : vector<128x512xi32>
    %jit3A_326 = arith.constant 31 : i32
    %jit3A_327 = arith.constant 32 : i32
    %broadcast_in_dim3A_328 = vector.broadcast %jit3A_326 : i32 to vector<128x512xi32>
    %broadcast_in_dim3A_329 = vector.broadcast %jit3A_327 : i32 to vector<128x512xi32>
    %select_n3A_330 = arith.select %eq3A_325, %broadcast_in_dim3A_328, %broadcast_in_dim3A_329 : vector<128x512xi1>, vector<128x512xi32>
    %min3A_331 = arith.minsi %min3A_321, %select_n3A_330 : vector<128x512xi32>
    %iota3A_332 = tpu.iota {dimensions = array<i32: 1>} : vector<128x32x512xi32>
    %broadcast_in_dim3A_333 = vector.shape_cast %min3A_331 : vector<128x512xi32> to vector<128x1x512xi32>
    %ge3A = vector.broadcast %broadcast_in_dim3A_333 : vector<128x1x512xi32> to vector<128x32x512xi32>
    %ge3A_334 = arith.cmpi sge, %iota3A_332, %ge3A : vector<128x32x512xi32>
    %reshape3A = vector.shape_cast %ge3A_334 : vector<128x32x512xi1> to vector<4096x512xi1>
    %lt3A = arith.constant 2 : i32
    %lt3A_335 = vector.broadcast %lt3A : i32 to vector<1x512xi32>
    %lt3A_336 = arith.cmpi slt, %add3A_15, %lt3A_335 : vector<1x512xi32>
    %ge3A_337 = arith.constant 100000 : i32
    %ge3A_338 = vector.broadcast %ge3A_337 : i32 to vector<1x512xi32>
    %ge3A_339 = arith.cmpi sge, %add3A_15, %ge3A_338 : vector<1x512xi32>
    %or3A = arith.ori %lt3A_336, %ge3A_339 : vector<1x512xi1>
    %or3A_340 = vector.broadcast %or3A : vector<1x512xi1> to vector<4096x512xi1>
    %or3A_341 = arith.ori %reshape3A, %or3A_340 : vector<4096x512xi1>
    %get3A_342 = arith.constant 0 : index
    %get3A_343 = arith.constant 0 : index
    %get3A_344 = vector.load %arg5[%get3A_342, %get3A_343] : memref<4096x1xf32, #tpu.memory_space<vmem>>, vector<4096x1xf32>
    %sub3A = vector.broadcast %get3A_344 : vector<4096x1xf32> to vector<4096x512xf32>
    %sub3A_345 = arith.subf %add3A_9, %sub3A : vector<4096x512xf32>
    %jit3A_346 = arith.constant 0xFF800000 : f32
    %broadcast_in_dim3A_347 = vector.broadcast %jit3A_346 : f32 to vector<4096x512xf32>
    %select_n3A_348 = arith.select %or3A_341, %broadcast_in_dim3A_347, %sub3A_345 : vector<4096x512xi1>, vector<4096x512xf32>
    %swap3A = arith.constant 0 : index
    %swap3A_349 = arith.constant 0 : index
    %swap3A_350 = vector.load %arg6[%swap3A, %swap3A_349] : memref<4096x512xf32, #tpu.memory_space<vmem>>, vector<4096x512xf32>
    tpu.vector_store %arg6[%swap3A, %swap3A_349], %select_n3A_348 {strides = array<i32>} : memref<4096x512xf32, #tpu.memory_space<vmem>>, vector<4096x512xf32>,
    return
  }
  func.func @transform_0(%arg0: i32) -> (i32, i32) {
    %c0_i32 = arith.constant 0 : i32
    %c0_i32_0 = arith.constant 0 : i32
    %c0_i32_1 = arith.constant 0 : i32
    return %c0_i32, %c0_i32_0 : i32, i32
  }
  func.func @transform_1(%arg0: i32) -> (i32, i32) {
    %c0_i32 = arith.constant 0 : i32
    %c0_i32_0 = arith.constant 0 : i32
    return %arg0, %c0_i32 : i32, i32
  }
  func.func @transform_2(%arg0: i32) -> (i32, i32) {
    %c0_i32 = arith.constant 0 : i32
    %c0_i32_0 = arith.constant 0 : i32
    return %c0_i32, %arg0 : i32, i32
  }
  func.func @transform_3(%arg0: i32) -> (i32, i32) {
    %c0_i32 = arith.constant 0 : i32
    %c0_i32_0 = arith.constant 0 : i32
    %c0_i32_1 = arith.constant 0 : i32
    return %c0_i32, %c0_i32_0 : i32, i32
  }
  func.func @transform_4(%arg0: i32) -> (i32, i32) {
    %c0_i32 = arith.constant 0 : i32
    %c0_i32_0 = arith.constant 0 : i32
    %c0_i32_1 = arith.constant 0 : i32
    return %c0_i32, %c0_i32_0 : i32, i32
  }
  func.func @transform_5(%arg0: i32) -> (i32, i32) {
    %c0_i32 = arith.constant 0 : i32
    %c0_i32_0 = arith.constant 0 : i32
    return %c0_i32, %arg0 : i32, i32
  }
}

</mosaic_0001>

<sc_bundles>
// kernel: sparse-core-data-format-call.cloned.1.call-start
scs
called_computation_lowered:
.L_overlay_start_0:
0x0: {  	s2 =	sld [smem:$0x3FD9]  }
0x1: {  	s3 =	sld [smem:$0x3FFE];
	_ =	sdelay $0x1  }
0x2: {  	s1 =	srdreg.scid  }
0x3: {  	s0 =	sand.u32 $0x1, s1  }
0x4: {  	s18 =	sshll.u32 s0, $0xA;
	s2 =	sadd.s32 s3, s2  }
0x5: {  	s2 =	sadd.s32 s2, s18  }
0x6: {  	[smem:$0x3FC4] =	sst s2  }
0x7: {  	_ = 	snop  }
0x8: {  	s2 =	sld [smem:$0x3FD0];
	(tm) =	ssettm $0x1  }
0x9: {  	s19 =	sld [smem:$0x3FFB];
	_ =	sdelay $0x3  }
0xa: {  	_ =	strace s19  }
0xb: {  	s3 =	sld [smem:$0x3FFC];
	_ =	sdelay $0x3  }
0xc: {  	_ =	strace s3  }
0xd: {  	s3 =	sld [smem:$0x3FFD];
	_ =	sdelay $0x3  }
0xe: {  	_ =	strace s3  }
0xf: {  	_ =	strace $0x8FFFFFFF  }
0x10: {  	s20 =	sld [smem:$0x3FDB];
	_ =	sdelay $0x1  }
0x11: {  	s4 =	simm.s32 $_scs_section_size  }
0x12: {  	s5 =	simm.s32 $_size__tile_overlayer_lowered;
	s6 =	simm.s32 $_tile_overlayer_lowered  }
0x13: {  	s23 =	simm.s32 $0x1BFF;
	s22 =	sshll.u32 s6, $0x1;
	s3 =	sadd.s32 s4, s20  }
0x14: {  	s7 =	simm.s32 $0x0;
	s21 =	sshll.u32 s5, $0x1;
	s5 =	sadd.s32 s22, s3  }
0x15: {  	[timem:s7], [sflag:s23] =	dma.local [hbm:s5], s21  }
0x16: {  	_ =	swait.ge [sflag:s23], s21  }
0x17: {  	s4 =	ssub.s32 $0x0, s21;
	[sflag:s23] =	ssyncset.done $0x0  }
0x18: {  	[sflag:s23] =	ssyncadd.s32 s4;
	_ =	sdelay $0x1  }
0x19: {  	s24 =	simm.s32 $0x1B8B  }
0x1a: {  	_ =	swait.ge [sflag:s24], $0x1  }
0x1b: {  	[sflag:s24] =	ssyncset.done $0x0  }
0x1c: {  	s26 =	simm.s32 $0x1B8E;
	s25 =	sld [smem:$0x3FFE];
	[sflag:s24] =	ssyncadd.s32 $0xFFFFFFFF  }
0x1d: {  	s27 =	simm.s32 $execute0_lowered;
	[smem:$0x3FD2] =	sst s26  }
0x1e: {  	s5 =	sshll.u32 s27, $0x1;
	_ =	strace $0x80000046;
	[dreg:$0x1] =	wrdreg $0xFFFFFFFF  }
0x1f: {  	s28 =	simm.s32 $_size_execute0_lowered;
	s3 =	sadd.s32 s3, s5;
	[dreg:$0x0] =	wrdreg $0x0  }
0x20: {  	s5 =	sshll.u32 s28, $0x1;
	[dreg:$0x2] =	wrdreg s3  }
0x21: {  	[dreg:$0x3] =	wrdreg s5  }
0x22: {  	[dreg:$0x4] =	wrdreg $0xC0  }
0x23: {  	_ =	task [dreg:s7], $0x5FFFF  }
0x24: {  	[dreg:$0x1] =	wrdreg $0xFFFFFFFF  }
0x25: {  	[dreg:$0x0] =	wrdreg $0x60  }
0x26: {  	[dreg:$0x2] =	wrdreg s25  }
0x27: {  	[dreg:$0x3] =	wrdreg s2  }
0x28: {  	[dreg:$0x4] =	wrdreg $0x9  }
0x29: {  	_ =	task.clear_ibuf [dreg:s7], $0x5FFFF;
	_ =	strace $0x90000046  }
0x2a: {  	s29 =	simm.s32 $0x9;
	_ =	strace $0x80000048  }
0x2b: {  	_ =	swait.ge [sflag:s29], $0x1  }
0x2c: {  	[sflag:s29] =	ssyncadd.s32 $0xFFFFFFFF  }
0x2d: {  	_ =	strace $0x90000048  }
0x2e: {  	_ =	sfence  }
0x2f: {  	s30 =	sld [smem:$0x0];
	_ =	sdelay $0x2  }
0x30: {  	s31 =	sshll.u32 s1, $0xD;
	s1 =	sshrl.u32 s1, $0x2  }
0x31: {  	s3 =	sand.u32 $0x4000, s31;
	s1 =	sadd.s32 s1, s30  }
0x32: {  	s0 =	sor.u32 s3, s0;
	s1 =	sshll.u32 s1, $0x11  }
0x33: {  	s0 =	sor.u32 s1, s0  }
0x34: {  	s0 =	sadd.s32 $0x8F2B, s0  }
0x35: {  	[sflag:s0] =	ssyncadd.remote.s32 $0x1  }
0x36: {  	_ =	sfence.sel $0xFFFF  }
0x37: {  	[dreg:$0x0] =	wrdreg $0xFFFFFFFF;
	(pc) =	sbr.abs _section_cstart, $3  }
0x38: {  	[dreg:$0x1] =	wrdreg $0xFFFFFFFF  }
0x39: {  	_ =	task.clear_ibuf [dreg:s7], $0x2FFFF;
	_ =	strace $0x9FFFFFFF  }
0x3a: {  	(tm) =	ssettm $0x7FFFFFFF  }
0x3b: {  	_ =	shalt  }
tec
execute0_lowered:
.L_overlay_start_1:
0x0: {  	(tag) =	ssettag $0x1  }
0x1: {  	s1 =	rddreg [dreg:$0x0]  }
0x2: {  	s2 =	rddreg [dreg:$0x1]  }
0x3: {  	s0 =	rddreg [dreg:$0x2];
	_ =	strace $0x80000047;
	s4 =	srdreg.scid  }
0x4: {  	s6 =	simm.s32 $0x2;
	s13 =	simm.s32 $0x0;
	p0 =	por $0x0, $0x0  }
0x5: {  	s15 =	simm.s32 $0x0;
	s14 =	simm.s32 $0x0;
	s8 =	simm.s32 $0x0  }
.Ltmp0:
0x6: {  	s9 =	simm.s32 $0x0;
	s10 =	simm.s32 $0x0;
	(pc) =	sbr.rel .LBB1_1-.Ltmp0, $4  }
0x7: {  	s12 =	simm.s32 $0x0;
	s3 =	sadd.s32 $0x400, s1;
	s5 =	sshll.u32 s4, $0x4  }
0x8: {  	s1 =	stileid.u32;
	s4 =	simm.s32 $0x1;
	s5 =	sand.u32 $0x10, s5  }
0x9: {  	s7 =	simm.s32 $0x0;
	[sflag:s4] =	ssyncpa.u1 $0x0;
	s5 =	sor.u32 s1, s5  }
0xa: {  	[sflag:s6] =	ssyncpa.u1 $0x0;
	s6 =	simm.s32 $0x0;
	s11 =	smov.u32 s5  }
.LBB1_5:
0xb: {  	p1 =	slt.u32 s7, $0x2  }
0xc: {  	p2 =	sgt.s32 @!p1 s15, $0x1F  }
0xd: {  	s16 =	smov.u32 s15;
	s17 =	sshra.s32 @!p1 s15, $0x1F;
	p2 =	por !p2, p1  }
0xe: {  	s15 =	sand.u32 @!p1 s17, s15;
	s16 =	simm.s32 @p2 $0x1F  }
0xf: {  	p3 =	sgt.s32 @!p1 s13, $0x18620;
	s15 =	ssub.s32 @!p1 s16, s15  }
0x10: {  	p3 =	por !p3, p1;
	s17 =	smov.u32 s13;
	s16 =	sadd.s32 @!p1 $0xFFFFFFE1, s15  }
0x11: {  	s15 =	ssub.s32 @!p1 $0x20, s15;
	p2 =	sgt.s32 @!p1 s16, $0x0;
	s16 =	sshra.s32 @!p1 s13, $0x1F  }
0x12: {  	s13 =	sand.u32 @!p1 s16, s13;
	s16 =	ssub.s32 @!p1 $0x0, s14;
	p2 =	por !p2, p1  }
0x13: {  	s17 =	simm.s32 @p3 $0x18620;
	s14 =	smin.u32 @!p1 s14, s16;
	s15 =	simm.s32 @!p2 $0x0  }
0x14: {  	s13 =	ssub.s32 @!p1 s17, s13;
	s17 =	smov.u32 s11;
	p2 =	sgt.s32 @!p1 s14, $0x7F  }
0x15: {  	s16 =	sadd.s32 @!p1 $0xFFFE79E0, s13;
	s14 =	ssub.s32 @!p1 $0x80, s14;
	p2 =	por !p2, p1  }
0x16: {  	s13 =	ssub.s32 @!p1 $0x186A0, s13;
	p3 =	sgt.s32 @!p1 s16, $0x7F;
	s14 =	simm.s32 @!p2 $0x0  }
0x17: {  	s16 =	sadd.s32 $0x80, s10;
	p2 =	por !p3, p1;
	s14 =	smul.u32 @!p1 s14, s15  }
0x18: {  	s13 =	simm.s32 @!p2 $0x0;
	p2 =	sgt.s32 s16, $0x1869F;
	s15 =	sadd.s32 $0x20, s11  }
0x19: {  	s18 =	smov.u32 s12;
	s17 =	smov.u32 @p2 s15  }
0x1a: {  	s13 =	smul.u32 @!p1 s13, s14;
	p3 =	sgt.s32 s17, $0x1F;
	s14 =	sadd.s32 $0x80, s12  }
0x1b: {  	s7 =	sadd.s32 $0x1, s7;
	p0 =	por !p0, !p0;
	s18 =	smov.u32 @p3 s14  }
0x1c: {  	s19 =	simm.s32 @!p1 $0x2;
	s16 =	simm.s32 @p2 $0x0;
	p2 =	sgt.s32 s18, $0x7F  }
0x1d: {  	s15 =	smov.u32 s8;
	s18 =	simm.s32 @p2 $0x0;
	p2 =	sne.s32 s7, $0x310  }
.Ltmp1:
0x1e: {  	s8 =	smov.u32 s11;
	s17 =	smov.u32 @p3 s5;
	(pc) =	sbr.rel @!p2 .LBB1_6-.Ltmp1, $4  }
0x1f: {  	s14 =	smov.u32 s9;
	s9 =	smov.u32 s12;
	s13 =	sand.u32 @!p1 $0x3FFFFFFF, s13  }
0x20: {  	s11 =	smov.u32 s17;
	_ =	swait.ge @!p1 [sflag:s19], s13;
	s20 =	ssub.s32 @!p1 $0x0, s13  }
0x21: {  	s13 =	smov.u32 s6;
	s6 =	smov.u32 s10;
	[sflag:s19] =	ssyncset.done @!p1 $0x0  }
0x22: {  	s10 =	smov.u32 s16;
	s12 =	smov.u32 s18;
	[sflag:s19] =	ssyncadd.s32 @!p1 s20  }
.LBB1_1:
0x23: {  	p1 =	sgt.u32 s7, $0x30D  }
0x24: {  	s16 =	sshrl.u32 @!p1 s11, $0x3  }
0x25: {  	s17 =	sshll.u32 @!p1 s10, $0x3;
	s16 =	smul.u32 @!p1 $0xC3800, s16  }
0x26: {  	s18 =	sshll.u32 @!p1 s11, $0x7;
	s17 =	sand.u32 @!p1 $0xFFFFFC00, s17  }
0x27: {  	s16 =	sadd.s32 @!p1 s16, s17;
	s17 =	sand.u32 @!p1 $0x380, s18  }
0x28: {  	s18 =	sand.u32 @!p1 $0x7F, s10;
	s16 =	sor.u32 @!p1 s17, s16  }
0x29: {  	s17 =	sor.u32 @!p1 s18, s16  }
0x2a: {  	s18 =	smulhi.u32 @!p1 $0xA79C7B17, s17  }
0x2b: {  	s16 =	smulhi.u32 @!p1 $0xA79C7B17, s16  }
0x2c: {  	s18 =	sshrl.u32 @!p1 s18, $0x10  }
0x2d: {  	s16 =	sshrl.u32 @!p1 s16, $0x10;
	s18 =	smul.u32 @!p1 $0x18700, s18  }
0x2e: {  	s19 =	sxor.u32 @!p1 $0xFFFFFFFF, s7;
	s20 =	smul.u32 @!p1 $0x61C00, s12;
	s16 =	sand.u32 @!p1 $0x1F, s16  }
0x2f: {  	s19 =	sshll.u32 @!p1 s19, $0xE;
	s16 =	smul.u32 @!p1 $0x30E0, s16;
	s17 =	ssub.s32 @!p1 s17, s18  }
0x30: {  	s18 =	sand.u32 @!p1 $0x4000, s19;
	s19 =	sadd.s32 @!p1 s3, s20;
	s20 =	sand.u32 @!p1 $0x7, s17  }
0x31: {  	s17 =	sshrl.u32 @!p1 s17, $0x3;
	s16 =	sadd.s32 @!p1 s16, s19;
	s19 =	sshll.u32 @!p1 s20, $0x12  }
0x32: {  	s16 =	sadd.s32 @!p1 s17, s16;
	s17 =	sor.u32 @!p1 $0x80, s19;
	s19 =	simm.s32 @!p1 $0x30E000  }
0x33: {  	[tilespmem:s18], [sflag:$0x1] =	stream.strided.gather @!p1 [hbm4b:s16+s17], $0x4000, s19, s17, $0x38;
	[tilespmem:$0x10100] =	vst v63  }
0x34: {  	p1 =	seq.s32 s7, $0x0  }
0x35: {  	p2 =	seq.s32 @!p1 s7, $0x30F  }
0x36: {  	p1 =	por p1, p2  }
.Ltmp2:
0x37: {  	_ = 	snop;
	(pc) =	sbr.rel @p1 .LBB1_5-.Ltmp2, $1  }
0x38: {  	_ =	sdelay $0x3  }
0x39: {  	s16 =	simm.s32 $0x1  }
0x3a: {  	_ =	swait.ge [sflag:s4], $0x4000;
	s16 =	simm.s32 @!p0 $0x0  }
0x3b: {  	[sflag:s4] =	ssyncset.done $0x0;
	s17 =	sshll.u32 s16, $0xE  }
0x3c: {  	[sflag:s4] =	ssyncadd.s32 $0xFFFFC000;
	s17 =	sor.u32 $0x40, s17  }
0x3d: {  	s16 =	smul.u32 $0x10200, s16;
	v0 =	vld [tilespmem:s17+$0x30]  }
0x3e: {  	v1 =	vld [tilespmem:s17+$0xFFFFFFD0]  }
0x3f: {  	s16 =	sshrl.u32 s16, $0x2;
	v5 =	vld [tilespmem:s17+$0xFFFFFFE0]  }
0x40: {  	v6 =	vld [tilespmem:s17+$0xFFFFFFF0];
	s19 =	sor.u32 $0x8000, s16  }
0x41: {  	s31 =	sand.u32 $0x1, s7;
	v4 =	vld [tilespmem:s17+$0x0];
	s18 =	sadd.s32 $0x0, s19  }
0x42: {  	v3 =	vld [tilespmem:s17+$0x10];
	s16 =	smul.u32 $0x10200, s31;
	[tilespmem:s18+$0x3870 ss:$0x81] =	vst.msk $0xffff, v0  }
0x43: {  	v2 =	vld [tilespmem:s17+$0x20];
	[tilespmem:s18+$0x810 ss:$0x81] =	vst.msk $0xffff, v1  }
0x44: {  	s16 =	sshrl.u32 s16, $0x2;
	v0 =	vld [tilespmem:s17+$0xFFFFFFC0];
	[tilespmem:s18+$0x1020 ss:$0x81] =	vst.msk $0xffff, v5;
	s17 =	sadd.s32 $0x80, s17  }
0x45: {  	s20 =	simm.s32 $0x4;
	s21 =	simm.s32 $0x8;
	s16 =	sor.u32 $0x8000, s16;
	[tilespmem:s18+$0x1830 ss:$0x81] =	vst.msk $0xffff, v6;
	v1 =	vld [tilespmem:s17+$0x30]  }
.LBB1_3:
0x46: {  	p1 =	sne.s32 s21, $0x1FC;
	v5 =	vld [tilespmem:s17+$0xFFFFFFD0];
	[tilespmem:s18+$0x2040 ss:$0x81] =	vst.msk $0xffff, v4  }
0x47: {  	v6 =	vld [tilespmem:s17+$0xFFFFFFE0];
	[tilespmem:s18+$0x2850 ss:$0x81] =	vst.msk $0xffff, v3  }
0x48: {  	s22 =	sshra.s32 s20, $0x2;
	s20 =	smov.u32 s21;
	v7 =	vld [tilespmem:s17+$0xFFFFFFF0];
	[tilespmem:s18+$0x3060 ss:$0x81] =	vst.msk $0xffff, v2  }
.Ltmp3:
0x49: {  	v4 =	vld [tilespmem:s17+$0x0];
	[tilespmem:s18+$0x0 ss:$0x81] =	vst.msk $0xffff, v0;
	s18 =	sadd.s32 s22, s19;
	(pc) =	sbr.rel @p1 .LBB1_3-.Ltmp3, $4  }
0x4a: {  	v3 =	vld [tilespmem:s17+$0x10];
	[tilespmem:s18+$0x3870 ss:$0x81] =	vst.msk $0xffff, v1  }
0x4b: {  	[tilespmem:s18+$0x810 ss:$0x81] =	vst.msk $0xffff, v5;
	v2 =	vld [tilespmem:s17+$0x20]  }
0x4c: {  	v0 =	vld [tilespmem:s17+$0xFFFFFFC0];
	[tilespmem:s18+$0x1020 ss:$0x81] =	vst.msk $0xffff, v6;
	s17 =	sadd.s32 $0x80, s17  }
0x4d: {  	s21 =	sadd.s32 $0x4, s21;
	v1 =	vld [tilespmem:s17+$0x30];
	[tilespmem:s18+$0x1830 ss:$0x81] =	vst.msk $0xffff, v7  }
0x4e: {  	s21 =	sshll.u32 s6, $0x7  }
0x4f: {  	s22 =	sshll.u32 s9, $0x3;
	p1 =	sgt.s32 s8, $0x1F;
	s27 =	sshra.s32 s8, $0x1F  }
0x50: {  	s20 =	sshra.s32 s20, $0x2;
	s23 =	sand.u32 $0xFFFFFC00, s21;
	s22 =	sand.u32 $0xFFFFFC00, s22  }
0x51: {  	s30 =	ssub.s32 $0x0, s9;
	s21 =	sand.u32 $0x380, s21;
	s22 =	sadd.s32 s22, s23  }
0x52: {  	[tilespmem:s18+$0x2040 ss:$0x81] =	vst.msk $0xffff, v4;
	s31 =	sshra.s32 s6, $0x1F;
	s21 =	sor.u32 s21, s22;
	s22 =	smov.u32 s8  }
0x53: {  	s19 =	sadd.s32 s20, s19;
	[tilespmem:s18+$0x2850 ss:$0x81] =	vst.msk $0xffff, v3;
	s23 =	sand.u32 s27, s8;
	s22 =	simm.s32 @!p1 $0x1F  }
0x54: {  	v5 =	vld [tilespmem:s17+$0xFFFFFFD0];
	[tilespmem:s18+$0x3060 ss:$0x81] =	vst.msk $0xffff, v2;
	s27 =	smul.u32 $0x186A00, s8;
	s21 =	sshrl.u32 s21, $0x7;
	s22 =	ssub.s32 s22, s23  }
0x55: {  	v58 =	vld [tilespmem:s17+$0xFFFFFFE0];
	[tilespmem:s18+$0x0 ss:$0x81] =	vst.msk $0xffff, v0;
	s18 =	sand.u32 s31, s6;
	s24 =	smulhi.u32 $0x14F8B59, s21;
	s28 =	sadd.s32 $0xFFFFFFE1, s22  }
0x56: {  	v59 =	vld [tilespmem:s17+$0xFFFFFFF0];
	s20 =	ssub.s32 $0x20, s22;
	s22 =	smov.u32 s6;
	p1 =	sgt.s32 s28, $0x0  }
0x57: {  	v60 =	vld [tilespmem:s17+$0x0];
	s29 =	sshrl.u32 s24, $0x9;
	s20 =	simm.s32 @p1 $0x0;
	p1 =	sgt.s32 s6, $0x18620  }
0x58: {  	v61 =	vld [tilespmem:s17+$0x10];
	[tilespmem:s19+$0x3870 ss:$0x81] =	vst.msk $0xffff, v1;
	s24 =	smin.u32 s9, s30;
	s28 =	sshrl.u32 s9, $0x3;
	s22 =	simm.s32 @!p1 $0x18620  }
0x59: {  	v62 =	vld [tilespmem:s17+$0x20];
	[tilespmem:s19+$0x810 ss:$0x81] =	vst.msk $0xffff, v5;
	p1 =	sgt.s32 s24, $0x7F;
	s24 =	ssub.s32 $0x80, s24;
	s18 =	ssub.s32 s22, s18  }
0x5a: {  	v63 =	vld [tilespmem:s17+$0xFFFFFFC0];
	[tilespmem:s19+$0x1020 ss:$0x81] =	vst.msk $0xffff, v58;
	s23 =	smul.u32 $0x186A0, s29;
	s24 =	simm.s32 @p1 $0x0;
	s26 =	sadd.s32 $0xFFFE79E0, s18  }
0x5b: {  	[tilespmem:s19+$0x1830 ss:$0x81] =	vst.msk $0xffff, v59;
	s25 =	smul.u32 s24, s20;
	s18 =	ssub.s32 $0x186A0, s18;
	p1 =	sgt.s32 s26, $0x7F  }
.Ltmp4:
0x5c: {  	[tilespmem:s19+$0x2040 ss:$0x81] =	vst.msk $0xffff, v60;
	s29 =	sand.u32 $0xF, s28;
	s18 =	simm.s32 @p1 $0x0;
	(pc) =	sbr.rel .LBB1_5-.Ltmp4, $4  }
0x5d: {  	[tilespmem:s19+$0x2850 ss:$0x81] =	vst.msk $0xffff, v61;
	s21 =	ssub.s32 s21, s23;
	s20 =	sadd.s32 s2, s27;
	s17 =	smul.u32 s18, s25  }
0x5e: {  	[tilespmem:s19+$0x3060 ss:$0x81] =	vst.msk $0xffff, v62;
	s30 =	sshll.u32 s21, $0x4;
	s18 =	sadd.s32 s29, s20  }
0x5f: {  	s31 =	sand.u32 $0x7, s9;
	[tilespmem:s19+$0x0 ss:$0x81] =	vst.msk $0xffff, v63;
	s18 =	sadd.s32 s30, s18;
	s17 =	sand.u32 $0x3FFFFFFF, s17  }
0x60: {  	[hbm4b:s18+s31] =	stream.linear.scatter [tilespmem:s16], [sflag:$0x2], s17, $0x20;
	[tilespmem:$0x10100] =	vst v63  }
.LBB1_6:
0x61: {  	_ =	sfence.sel $0x180000  }
0x62: {  	s2 =	simm.s32 $0x1;
	[bflag:$0x0] =	sbarrier.arrive $0xFFFF  }
0x63: {  	s31 =	simm.s32 $0x2;
	[sflag:s2] =	ssyncpa.u1 $0x1  }
0x64: {  	[sflag:s31] =	ssyncpa.u1 $0x1  }
0x65: {  	p0 =	sne.s32 s1, $0x0;
	_ =	strace $0x90000047  }
0x66: {  	s0 =	sadd.s32 @!p0 $0x100000, s0;
	[bflag:$0x2] =	sbarrier.arrive $0xFFFF  }
0x67: {  	[sflag:s0] =	ssyncadd.tile.s32 @!p0 $0x1;
	_ =	shalt  }
.Lfunc_end1:
_tile_overlayer_lowered:
.L_overlay_start_2:
0x68: {  	(tag) =	ssettag $0x2  }
0x69: {  	s0 =	rddreg [dreg:$0x0];
	s2 =	stileid.u32  }
0x6a: {  	s1 =	rddreg [dreg:$0x1];
	p0 =	sne.s32 s2, $0x0  }
0x6b: {  	s3 =	rddreg [dreg:$0x2];
	[bflag:$0x3] =	sbarrier.arrive $0xFFFF;
	s2 =	simm.s32 @!p0 $0x1C01  }
0x6c: {  	[timem:s3], [sflag:s2] =	dma.local @!p0 [hbm:s0], s1  }
0x6d: {  	s0 =	simm.s32 @!p0 $0x1  }
0x6e: {  	_ =	swait.ge @!p0 [sflag:s0], s1  }
0x6f: {  	s1 =	ssub.s32 @!p0 $0x0, s1;
	[sflag:s0] =	ssyncset.done @!p0 $0x0  }
0x70: {  	[sflag:s0] =	ssyncadd.s32 @!p0 s1  }
0x71: {  	[bflag:$0x3] =	sbarrier.arrive $0xFFFF  }
0x72: {  	_ =	shalt  }

</sc_bundles>
